<compile_context>
chip_gen: v7x
topology: tpu7x:2x2x1
jax: 0.10.2.dev20260603
libtpu: 0.0.44.dev20260713+nightly
codegen_flags: <defaults>
</compile_context>

<pallas_src>
import jax
import jax.numpy as jnp
from jax import lax
from jax.experimental import pallas as pl
from jax.experimental.pallas import tpu as pltpu
from jax.experimental.pallas import tpu_sc as plsc

_T = 4096
_D = 128
_V = 76
_BT = 512
_NB = _T // _BT
_NCODE = 64

_NC, _NS, _L = 2, 16, 16
_NW = _NC * _NS
_BW = _T // _NW
_NG = _BW // _L


def _build_body(table_ref, basis_ref, fused_ref):
    c = lax.broadcasted_iota(jnp.int32, (_NCODE, 6), 0)
    k = lax.broadcasted_iota(jnp.int32, (_NCODE, 6), 1)
    bits = ((c >> k) & 1).astype(jnp.float32)
    geo = jnp.dot(bits, basis_ref[...], preferred_element_type=jnp.float32)
    tab = table_ref[...]
    fused_ref[...] = (tab[:, None, :] + geo[None, :, :]).reshape(
        _V * _NCODE, _D)


def _tc_body(scale_ref, q6_ref, ham_ref):
    i = pl.program_id(0)
    rows = q6_ref[pl.ds(i * _BT, _BT), :]
    cols = q6_ref[...]
    g = jax.lax.dot_general(rows, cols, (((1,), (1,)), ((), ())),
                            preferred_element_type=jnp.float32)
    si = jnp.sum(rows, axis=1)
    sj = jnp.sum(cols, axis=1)
    scale = scale_ref[0]
    ham_ref[...] = (-scale) * (si[:, None] + sj[None, :] - 2.0 * g)


def _sc_body(ids_hbm, q6t_hbm, fused_hbm, out_hbm, idx_ref, rows_ref, q6_ref, sem):
    wid = lax.axis_index("s") * _NC + lax.axis_index("c")
    base = wid * _BW
    pltpu.sync_copy(ids_hbm.at[pl.ds(base, _BW)], idx_ref.at[0])
    pltpu.sync_copy(q6t_hbm.at[:, pl.ds(base, _BW)], q6_ref)
    for g in range(_NG):
        ids_v = idx_ref[0, pl.ds(g * _L, _L)]
        code = jnp.zeros((_L,), jnp.int32)
        for k in range(6):
            qv = q6_ref[k, pl.ds(g * _L, _L)]
            code = code + jnp.where(qv > 0.5, jnp.int32(1 << k), jnp.int32(0))
        idx_ref[1, pl.ds(g * _L, _L)] = ids_v * _NCODE + code
    pltpu.async_copy(fused_hbm.at[idx_ref.at[1]], rows_ref, sem).wait()
    pltpu.sync_copy(rows_ref, out_hbm.at[pl.ds(base, _BW)])


def kernel(token_ids, q6_vecs, token_embed, q6_basis, hamming_scale):
    scale = jnp.reshape(hamming_scale, (1,)).astype(jnp.float32)
    ids = token_ids.astype(jnp.int32)
    q6f = q6_vecs.astype(jnp.float32)

    fused = pl.pallas_call(
        _build_body,
        in_specs=[
            pl.BlockSpec(memory_space=pltpu.VMEM),
            pl.BlockSpec(memory_space=pltpu.VMEM),
        ],
        out_specs=pl.BlockSpec(memory_space=pltpu.VMEM),
        out_shape=jax.ShapeDtypeStruct((_V * _NCODE, _D), jnp.float32),
    )(token_embed.astype(jnp.float32), q6_basis.astype(jnp.float32))

    sc_combined = pl.kernel(
        _sc_body,
        out_type=jax.ShapeDtypeStruct((_T, _D), jnp.float32),
        mesh=plsc.VectorSubcoreMesh(
            core_axis_name="c", subcore_axis_name="s",
            num_cores=_NC, num_subcores=_NS),
        scratch_types=[
            pltpu.VMEM((2, _BW), jnp.int32),
            pltpu.VMEM((_BW, _D), jnp.float32),
            pltpu.VMEM((6, _BW), jnp.float32),
            pltpu.SemaphoreType.DMA,
        ],
    )
    comb = sc_combined(ids, q6f.T, fused)

    ham = pl.pallas_call(
        _tc_body,
        grid=(_NB,),
        in_specs=[
            pl.BlockSpec(memory_space=pltpu.SMEM),
            pl.BlockSpec(memory_space=pltpu.VMEM),
        ],
        out_specs=pl.BlockSpec((_BT, _T), lambda i: (i, 0)),
        out_shape=jax.ShapeDtypeStruct((_T, _T), jnp.float32),
        compiler_params=pltpu.CompilerParams(
            dimension_semantics=("arbitrary",)),
    )(scale, q6f)

    return comb[None], ham

# --- scband reference (transcript-rebuilt; emitter-appended) ---
"""Pipeline reference for scband-glyph-aware-embedding-34359739036 (READ-ONLY COPY).

The authoritative reference and input builder live on the scoring server;
editing this copy changes nothing except your own understanding.
"""

import jax, jax.numpy as jnp
import numpy as np

T = 4096
D = 128
V = 76

def setup_inputs(seed: int = 0) -> dict:
    key = jax.random.key(seed)
    k1, k2, k3, k4 = jax.random.split(key, 4)
    token_ids = jax.random.randint(k1, (T,), 0, V)
    q6_vecs = jax.random.randint(k2, (T, 6), 0, 2).astype(jnp.float32)
    token_embed = jax.random.normal(k3, (V, D), dtype=jnp.float32) * 0.02
    q6_basis = jax.random.normal(k4, (6, D), dtype=jnp.float32) / jnp.sqrt(6.0)
    hamming_scale = jnp.asarray(0.1, dtype=jnp.float32)
    return {"token_ids": token_ids, "q6_vecs": q6_vecs, "token_embed": token_embed, "q6_basis": q6_basis, "hamming_scale": hamming_scale}

def reference(token_ids, q6_vecs, token_embed, q6_basis, hamming_scale):
    # standard embedding lookup (gather)
    std_emb = jnp.take(token_embed, token_ids, axis=0)            # (T, D)
    # Q6 geometric embedding
    geo_emb = q6_vecs @ q6_basis                                  # (T, D)
    combined = std_emb + geo_emb                                  # (T, D)
    # Hamming bias: pairwise bit disagreement count over 6 Q6 bits
    diff = (q6_vecs[None, :, :] != q6_vecs[:, None, :]).astype(jnp.float32)  # (T, T, 6)
    hamming_dist = diff.sum(axis=-1)                              # (T, T)
    hamming_bias = -hamming_scale * hamming_dist
    return (combined[None, :, :], hamming_bias)

if __name__ == "__main__":
    import jax
    _d = setup_inputs()
    print(jax.jit(kernel)(*tuple(_d.values())))

</pallas_src>

<mosaic_0001>
#map = affine_map<(d0, d1) -> (0)>
#map1 = affine_map<(d0, d1) -> (0, 0)>
module attributes {stable_mosaic.version = 14 : i64} {
  func.func @_sc_body(%arg0: i32, %arg1: i32, %arg2: memref<4096xi32, #tpu.memory_space<hbm>>, %arg3: memref<6x4096xf32, #tpu.memory_space<hbm>>, %arg4: memref<4864x128xf32, #tpu.memory_space<hbm>>, %arg5: memref<4096x128xf32, #tpu.memory_space<hbm>>, %arg6: memref<2x128xi32, #tpu.memory_space<vmem>>, %arg7: memref<128x128xf32, #tpu.memory_space<vmem>>, %arg8: memref<6x128xf32, #tpu.memory_space<vmem>>, %arg9: memref<!tpu.dma_semaphore, #tpu.memory_space<semaphore_mem>>) attributes {dimension_semantics = [#tpu.dimension_semantics<core_parallel>, #tpu.dimension_semantics<subcore_parallel>], iteration_bounds = array<i64: 2, 16>, scalar_prefetch = 0 : i64, scratch_operands = 4 : i64, tpu.core_type = #tpu.core_type<sc_vector_subcore>, window_params = [{transform_indices = #map}, {transform_indices = #map1}, {transform_indices = #map1}, {transform_indices = #map1}]} {
    %mul3A = arith.constant 2 : i32
    %mul3A_0 = arith.muli %arg1, %mul3A : i32
    %add3A = arith.addi %mul3A_0, %arg0 : i32
    %mul3A_1 = arith.constant 128 : i32
    %mul3A_2 = arith.muli %add3A, %mul3A_1 : i32
    %run_scoped3A = arith.constant 0 : i32
    "tpu.region"() ({
      %run_scoped3A_817 = tpu.sem_alloc : memref<!tpu.dma_semaphore, #tpu.memory_space<semaphore_mem>>
      %dma_start3A_818 = arith.constant 0 : i32
      %dma_start3A_819 = tpu.memref_slice %arg6[%run_scoped3A, %dma_start3A_818] : memref<2x128xi32, #tpu.memory_space<vmem>> -> memref<1x128xi32, #tpu.memory_space<vmem>>
      %dma_start3A_820 = tpu.memref_squeeze %dma_start3A_819 : memref<1x128xi32, #tpu.memory_space<vmem>> -> memref<128xi32, #tpu.memory_space<vmem>>
      %dma_start3A_821 = tpu.memref_slice %arg2[%mul3A_2] : memref<4096xi32, #tpu.memory_space<hbm>> -> memref<128xi32, #tpu.memory_space<hbm>>
      %dma_start3A_822 = arith.constant 0 : i32
      %dma_start3A_823 = tpu.memref_slice %arg6[%run_scoped3A, %dma_start3A_822] : memref<2x128xi32, #tpu.memory_space<vmem>> -> memref<1x128xi32, #tpu.memory_space<vmem>>
      %dma_start3A_824 = tpu.memref_squeeze %dma_start3A_823 : memref<1x128xi32, #tpu.memory_space<vmem>> -> memref<128xi32, #tpu.memory_space<vmem>>
      %dma_start3A_825 = tpu.memref_slice %arg2[%mul3A_2] : memref<4096xi32, #tpu.memory_space<hbm>> -> memref<128xi32, #tpu.memory_space<hbm>>
      tpu.enqueue_dma source(%dma_start3A_825 : memref<128xi32, #tpu.memory_space<hbm>>) target(%dma_start3A_824 : memref<128xi32, #tpu.memory_space<vmem>>) target_semaphore(%run_scoped3A_817 : memref<!tpu.dma_semaphore, #tpu.memory_space<semaphore_mem>>)
      %dma_wait3A_826 = arith.constant 0 : i32
      %dma_wait3A_827 = tpu.memref_slice %arg6[%run_scoped3A, %dma_wait3A_826] : memref<2x128xi32, #tpu.memory_space<vmem>> -> memref<1x128xi32, #tpu.memory_space<vmem>>
      %dma_wait3A_828 = tpu.memref_squeeze %dma_wait3A_827 : memref<1x128xi32, #tpu.memory_space<vmem>> -> memref<128xi32, #tpu.memory_space<vmem>>
      %dma_wait3A_829 = tpu.memref_slice %arg2[%mul3A_2] : memref<4096xi32, #tpu.memory_space<hbm>> -> memref<128xi32, #tpu.memory_space<hbm>>
      %dma_wait3A_830 = arith.constant 0 : i32
      %dma_wait3A_831 = tpu.memref_slice %arg6[%run_scoped3A, %dma_wait3A_830] : memref<2x128xi32, #tpu.memory_space<vmem>> -> memref<1x128xi32, #tpu.memory_space<vmem>>
      %dma_wait3A_832 = tpu.memref_squeeze %dma_wait3A_831 : memref<1x128xi32, #tpu.memory_space<vmem>> -> memref<128xi32, #tpu.memory_space<vmem>>
      %dma_wait3A_833 = tpu.memref_slice %arg2[%mul3A_2] : memref<4096xi32, #tpu.memory_space<hbm>> -> memref<128xi32, #tpu.memory_space<hbm>>
      tpu.wait_dma2 semaphore(%run_scoped3A_817 : memref<!tpu.dma_semaphore, #tpu.memory_space<semaphore_mem>>) src(%dma_wait3A_833 : memref<128xi32, #tpu.memory_space<hbm>>) dst(%dma_wait3A_832 : memref<128xi32, #tpu.memory_space<vmem>>)
      tpu.yield
    }) : () -> ()
    "tpu.region"() ({
      %run_scoped3A_817 = tpu.sem_alloc : memref<!tpu.dma_semaphore, #tpu.memory_space<semaphore_mem>>
      %dma_start3A_818 = arith.constant 0 : i32
      %dma_start3A_819 = tpu.memref_slice %arg3[%dma_start3A_818, %mul3A_2] : memref<6x4096xf32, #tpu.memory_space<hbm>> -> memref<6x128xf32, #tpu.memory_space<hbm>>
      %dma_start3A_820 = arith.constant 0 : i32
      %dma_start3A_821 = tpu.memref_slice %arg3[%dma_start3A_820, %mul3A_2] : memref<6x4096xf32, #tpu.memory_space<hbm>> -> memref<6x128xf32, #tpu.memory_space<hbm>>
      tpu.enqueue_dma source(%dma_start3A_821 : memref<6x128xf32, #tpu.memory_space<hbm>>) target(%arg8 : memref<6x128xf32, #tpu.memory_space<vmem>>) target_semaphore(%run_scoped3A_817 : memref<!tpu.dma_semaphore, #tpu.memory_space<semaphore_mem>>)
      %dma_wait3A_822 = arith.constant 0 : i32
      %dma_wait3A_823 = tpu.memref_slice %arg3[%dma_wait3A_822, %mul3A_2] : memref<6x4096xf32, #tpu.memory_space<hbm>> -> memref<6x128xf32, #tpu.memory_space<hbm>>
      %dma_wait3A_824 = arith.constant 0 : i32
      %dma_wait3A_825 = tpu.memref_slice %arg3[%dma_wait3A_824, %mul3A_2] : memref<6x4096xf32, #tpu.memory_space<hbm>> -> memref<6x128xf32, #tpu.memory_space<hbm>>
      tpu.wait_dma2 semaphore(%run_scoped3A_817 : memref<!tpu.dma_semaphore, #tpu.memory_space<semaphore_mem>>) src(%dma_wait3A_825 : memref<6x128xf32, #tpu.memory_space<hbm>>) dst(%arg8 : memref<6x128xf32, #tpu.memory_space<vmem>>)
      tpu.yield
    }) : () -> ()
    %get3A = arith.constant 0 : i32
    %get3A_3 = arith.index_cast %get3A : i32 to index
    %get3A_4 = arith.constant 0 : index
    %get3A_5 = tpu.vector_load %arg6[%get3A_3, %get3A_4] {strides = array<i32>} : memref<2x128xi32, #tpu.memory_space<vmem>>, vector<1x16xi32>,
    %get3A_6 = vector.shape_cast %get3A_5 : vector<1x16xi32> to vector<16xi32>
    %broadcast_in_dim3A = arith.constant 0 : i32
    %broadcast_in_dim3A_7 = vector.broadcast %broadcast_in_dim3A : i32 to vector<16xi32>
    %get3A_8 = arith.constant 0 : i32
    %get3A_9 = arith.index_cast %get3A_8 : i32 to index
    %get3A_10 = arith.constant 0 : index
    %get3A_11 = tpu.vector_load %arg8[%get3A_9, %get3A_10] {strides = array<i32>} : memref<6x128xf32, #tpu.memory_space<vmem>>, vector<1x16xf32>,
    %get3A_12 = vector.shape_cast %get3A_11 : vector<1x16xf32> to vector<16xf32>
    %gt3A = arith.constant 5.000000e-01 : f32
    %gt3A_13 = vector.broadcast %gt3A : f32 to vector<16xf32>
    %gt3A_14 = arith.cmpf ogt, %get3A_12, %gt3A_13 : vector<16xf32>
    %jit3A = arith.constant 1 : i32
    %jit3A_15 = arith.constant 0 : i32
    %broadcast_in_dim3A_16 = vector.broadcast %jit3A : i32 to vector<16xi32>
    %broadcast_in_dim3A_17 = vector.broadcast %jit3A_15 : i32 to vector<16xi32>
    %select_n3A = arith.select %gt3A_14, %broadcast_in_dim3A_16, %broadcast_in_dim3A_17 : vector<16xi1>, vector<16xi32>
    %add3A_18 = arith.addi %broadcast_in_dim3A_7, %select_n3A : vector<16xi32>
    %get3A_19 = arith.constant 1 : i32
    %get3A_20 = arith.index_cast %get3A_19 : i32 to index
    %get3A_21 = arith.constant 0 : index
    %get3A_22 = tpu.vector_load %arg8[%get3A_20, %get3A_21] {strides = array<i32>} : memref<6x128xf32, #tpu.memory_space<vmem>>, vector<1x16xf32>,
    %get3A_23 = vector.shape_cast %get3A_22 : vector<1x16xf32> to vector<16xf32>
    %gt3A_24 = arith.constant 5.000000e-01 : f32
    %gt3A_25 = vector.broadcast %gt3A_24 : f32 to vector<16xf32>
    %gt3A_26 = arith.cmpf ogt, %get3A_23, %gt3A_25 : vector<16xf32>
    %jit3A_27 = arith.constant 2 : i32
    %jit3A_28 = arith.constant 0 : i32
    %broadcast_in_dim3A_29 = vector.broadcast %jit3A_27 : i32 to vector<16xi32>
    %broadcast_in_dim3A_30 = vector.broadcast %jit3A_28 : i32 to vector<16xi32>
    %select_n3A_31 = arith.select %gt3A_26, %broadcast_in_dim3A_29, %broadcast_in_dim3A_30 : vector<16xi1>, vector<16xi32>
    %add3A_32 = arith.addi %add3A_18, %select_n3A_31 : vector<16xi32>
    %get3A_33 = arith.constant 2 : i32
    %get3A_34 = arith.index_cast %get3A_33 : i32 to index
    %get3A_35 = arith.constant 0 : index
    %get3A_36 = tpu.vector_load %arg8[%get3A_34, %get3A_35] {strides = array<i32>} : memref<6x128xf32, #tpu.memory_space<vmem>>, vector<1x16xf32>,
    %get3A_37 = vector.shape_cast %get3A_36 : vector<1x16xf32> to vector<16xf32>
    %gt3A_38 = arith.constant 5.000000e-01 : f32
    %gt3A_39 = vector.broadcast %gt3A_38 : f32 to vector<16xf32>
    %gt3A_40 = arith.cmpf ogt, %get3A_37, %gt3A_39 : vector<16xf32>
    %jit3A_41 = arith.constant 4 : i32
    %jit3A_42 = arith.constant 0 : i32
    %broadcast_in_dim3A_43 = vector.broadcast %jit3A_41 : i32 to vector<16xi32>
    %broadcast_in_dim3A_44 = vector.broadcast %jit3A_42 : i32 to vector<16xi32>
    %select_n3A_45 = arith.select %gt3A_40, %broadcast_in_dim3A_43, %broadcast_in_dim3A_44 : vector<16xi1>, vector<16xi32>
    %add3A_46 = arith.addi %add3A_32, %select_n3A_45 : vector<16xi32>
    %get3A_47 = arith.constant 3 : i32
    %get3A_48 = arith.index_cast %get3A_47 : i32 to index
    %get3A_49 = arith.constant 0 : index
    %get3A_50 = tpu.vector_load %arg8[%get3A_48, %get3A_49] {strides = array<i32>} : memref<6x128xf32, #tpu.memory_space<vmem>>, vector<1x16xf32>,
    %get3A_51 = vector.shape_cast %get3A_50 : vector<1x16xf32> to vector<16xf32>
    %gt3A_52 = arith.constant 5.000000e-01 : f32
    %gt3A_53 = vector.broadcast %gt3A_52 : f32 to vector<16xf32>
    %gt3A_54 = arith.cmpf ogt, %get3A_51, %gt3A_53 : vector<16xf32>
    %jit3A_55 = arith.constant 8 : i32
    %jit3A_56 = arith.constant 0 : i32
    %broadcast_in_dim3A_57 = vector.broadcast %jit3A_55 : i32 to vector<16xi32>
    %broadcast_in_dim3A_58 = vector.broadcast %jit3A_56 : i32 to vector<16xi32>
    %select_n3A_59 = arith.select %gt3A_54, %broadcast_in_dim3A_57, %broadcast_in_dim3A_58 : vector<16xi1>, vector<16xi32>
    %add3A_60 = arith.addi %add3A_46, %select_n3A_59 : vector<16xi32>
    %get3A_61 = arith.constant 4 : i32
    %get3A_62 = arith.index_cast %get3A_61 : i32 to index
    %get3A_63 = arith.constant 0 : index
    %get3A_64 = tpu.vector_load %arg8[%get3A_62, %get3A_63] {strides = array<i32>} : memref<6x128xf32, #tpu.memory_space<vmem>>, vector<1x16xf32>,
    %get3A_65 = vector.shape_cast %get3A_64 : vector<1x16xf32> to vector<16xf32>
    %gt3A_66 = arith.constant 5.000000e-01 : f32
    %gt3A_67 = vector.broadcast %gt3A_66 : f32 to vector<16xf32>
    %gt3A_68 = arith.cmpf ogt, %get3A_65, %gt3A_67 : vector<16xf32>
    %jit3A_69 = arith.constant 16 : i32
    %jit3A_70 = arith.constant 0 : i32
    %broadcast_in_dim3A_71 = vector.broadcast %jit3A_69 : i32 to vector<16xi32>
    %broadcast_in_dim3A_72 = vector.broadcast %jit3A_70 : i32 to vector<16xi32>
    %select_n3A_73 = arith.select %gt3A_68, %broadcast_in_dim3A_71, %broadcast_in_dim3A_72 : vector<16xi1>, vector<16xi32>
    %add3A_74 = arith.addi %add3A_60, %select_n3A_73 : vector<16xi32>
    %get3A_75 = arith.constant 5 : i32
    %get3A_76 = arith.index_cast %get3A_75 : i32 to index
    %get3A_77 = arith.constant 0 : index
    %get3A_78 = tpu.vector_load %arg8[%get3A_76, %get3A_77] {strides = array<i32>} : memref<6x128xf32, #tpu.memory_space<vmem>>, vector<1x16xf32>,
    %get3A_79 = vector.shape_cast %get3A_78 : vector<1x16xf32> to vector<16xf32>
    %gt3A_80 = arith.constant 5.000000e-01 : f32
    %gt3A_81 = vector.broadcast %gt3A_80 : f32 to vector<16xf32>
    %gt3A_82 = arith.cmpf ogt, %get3A_79, %gt3A_81 : vector<16xf32>
    %jit3A_83 = arith.constant 32 : i32
    %jit3A_84 = arith.constant 0 : i32
    %broadcast_in_dim3A_85 = vector.broadcast %jit3A_83 : i32 to vector<16xi32>
    %broadcast_in_dim3A_86 = vector.broadcast %jit3A_84 : i32 to vector<16xi32>
    %select_n3A_87 = arith.select %gt3A_82, %broadcast_in_dim3A_85, %broadcast_in_dim3A_86 : vector<16xi1>, vector<16xi32>
    %add3A_88 = arith.addi %add3A_74, %select_n3A_87 : vector<16xi32>
    %mul3A_89 = arith.constant 64 : i32
    %mul3A_90 = vector.broadcast %mul3A_89 : i32 to vector<16xi32>
    %mul3A_91 = arith.muli %get3A_6, %mul3A_90 : vector<16xi32>
    %add3A_92 = arith.addi %mul3A_91, %add3A_88 : vector<16xi32>
    %swap3A = arith.constant 1 : i32
    %swap3A_93 = arith.index_cast %swap3A : i32 to index
    %swap3A_94 = arith.constant 0 : index
    %swap3A_95 = tpu.vector_load %arg6[%swap3A_93, %swap3A_94] {strides = array<i32>} : memref<2x128xi32, #tpu.memory_space<vmem>>, vector<1x16xi32>,
    %swap3A_96 = vector.shape_cast %swap3A_95 : vector<1x16xi32> to vector<16xi32>
    %swap3A_97 = vector.shape_cast %add3A_92 : vector<16xi32> to vector<1x16xi32>
    tpu.vector_store %arg6[%swap3A_93, %swap3A_94], %swap3A_97 {strides = array<i32>} : memref<2x128xi32, #tpu.memory_space<vmem>>, vector<1x16xi32>,
    %get3A_98 = arith.constant 0 : i32
    %get3A_99 = arith.index_cast %get3A_98 : i32 to index
    %get3A_100 = arith.constant 16 : index
    %get3A_101 = tpu.vector_load %arg6[%get3A_99, %get3A_100] {strides = array<i32>} : memref<2x128xi32, #tpu.memory_space<vmem>>, vector<1x16xi32>,
    %get3A_102 = vector.shape_cast %get3A_101 : vector<1x16xi32> to vector<16xi32>
    %broadcast_in_dim3A_103 = arith.constant 0 : i32
    %broadcast_in_dim3A_104 = vector.broadcast %broadcast_in_dim3A_103 : i32 to vector<16xi32>
    %get3A_105 = arith.constant 0 : i32
    %get3A_106 = arith.index_cast %get3A_105 : i32 to index
    %get3A_107 = arith.constant 16 : index
    %get3A_108 = tpu.vector_load %arg8[%get3A_106, %get3A_107] {strides = array<i32>} : memref<6x128xf32, #tpu.memory_space<vmem>>, vector<1x16xf32>,
    %get3A_109 = vector.shape_cast %get3A_108 : vector<1x16xf32> to vector<16xf32>
    %gt3A_110 = arith.constant 5.000000e-01 : f32
    %gt3A_111 = vector.broadcast %gt3A_110 : f32 to vector<16xf32>
    %gt3A_112 = arith.cmpf ogt, %get3A_109, %gt3A_111 : vector<16xf32>
    %jit3A_113 = arith.constant 1 : i32
    %jit3A_114 = arith.constant 0 : i32
    %broadcast_in_dim3A_115 = vector.broadcast %jit3A_113 : i32 to vector<16xi32>
    %broadcast_in_dim3A_116 = vector.broadcast %jit3A_114 : i32 to vector<16xi32>
    %select_n3A_117 = arith.select %gt3A_112, %broadcast_in_dim3A_115, %broadcast_in_dim3A_116 : vector<16xi1>, vector<16xi32>
    %add3A_118 = arith.addi %broadcast_in_dim3A_104, %select_n3A_117 : vector<16xi32>
    %get3A_119 = arith.constant 1 : i32
    %get3A_120 = arith.index_cast %get3A_119 : i32 to index
    %get3A_121 = arith.constant 16 : index
    %get3A_122 = tpu.vector_load %arg8[%get3A_120, %get3A_121] {strides = array<i32>} : memref<6x128xf32, #tpu.memory_space<vmem>>, vector<1x16xf32>,
    %get3A_123 = vector.shape_cast %get3A_122 : vector<1x16xf32> to vector<16xf32>
    %gt3A_124 = arith.constant 5.000000e-01 : f32
    %gt3A_125 = vector.broadcast %gt3A_124 : f32 to vector<16xf32>
    %gt3A_126 = arith.cmpf ogt, %get3A_123, %gt3A_125 : vector<16xf32>
    %jit3A_127 = arith.constant 2 : i32
    %jit3A_128 = arith.constant 0 : i32
    %broadcast_in_dim3A_129 = vector.broadcast %jit3A_127 : i32 to vector<16xi32>
    %broadcast_in_dim3A_130 = vector.broadcast %jit3A_128 : i32 to vector<16xi32>
    %select_n3A_131 = arith.select %gt3A_126, %broadcast_in_dim3A_129, %broadcast_in_dim3A_130 : vector<16xi1>, vector<16xi32>
    %add3A_132 = arith.addi %add3A_118, %select_n3A_131 : vector<16xi32>
    %get3A_133 = arith.constant 2 : i32
    %get3A_134 = arith.index_cast %get3A_133 : i32 to index
    %get3A_135 = arith.constant 16 : index
    %get3A_136 = tpu.vector_load %arg8[%get3A_134, %get3A_135] {strides = array<i32>} : memref<6x128xf32, #tpu.memory_space<vmem>>, vector<1x16xf32>,
    %get3A_137 = vector.shape_cast %get3A_136 : vector<1x16xf32> to vector<16xf32>
    %gt3A_138 = arith.constant 5.000000e-01 : f32
    %gt3A_139 = vector.broadcast %gt3A_138 : f32 to vector<16xf32>
    %gt3A_140 = arith.cmpf ogt, %get3A_137, %gt3A_139 : vector<16xf32>
    %jit3A_141 = arith.constant 4 : i32
    %jit3A_142 = arith.constant 0 : i32
    %broadcast_in_dim3A_143 = vector.broadcast %jit3A_141 : i32 to vector<16xi32>
    %broadcast_in_dim3A_144 = vector.broadcast %jit3A_142 : i32 to vector<16xi32>
    %select_n3A_145 = arith.select %gt3A_140, %broadcast_in_dim3A_143, %broadcast_in_dim3A_144 : vector<16xi1>, vector<16xi32>
    %add3A_146 = arith.addi %add3A_132, %select_n3A_145 : vector<16xi32>
    %get3A_147 = arith.constant 3 : i32
    %get3A_148 = arith.index_cast %get3A_147 : i32 to index
    %get3A_149 = arith.constant 16 : index
    %get3A_150 = tpu.vector_load %arg8[%get3A_148, %get3A_149] {strides = array<i32>} : memref<6x128xf32, #tpu.memory_space<vmem>>, vector<1x16xf32>,
    %get3A_151 = vector.shape_cast %get3A_150 : vector<1x16xf32> to vector<16xf32>
    %gt3A_152 = arith.constant 5.000000e-01 : f32
    %gt3A_153 = vector.broadcast %gt3A_152 : f32 to vector<16xf32>
    %gt3A_154 = arith.cmpf ogt, %get3A_151, %gt3A_153 : vector<16xf32>
    %jit3A_155 = arith.constant 8 : i32
    %jit3A_156 = arith.constant 0 : i32
    %broadcast_in_dim3A_157 = vector.broadcast %jit3A_155 : i32 to vector<16xi32>
    %broadcast_in_dim3A_158 = vector.broadcast %jit3A_156 : i32 to vector<16xi32>
    %select_n3A_159 = arith.select %gt3A_154, %broadcast_in_dim3A_157, %broadcast_in_dim3A_158 : vector<16xi1>, vector<16xi32>
    %add3A_160 = arith.addi %add3A_146, %select_n3A_159 : vector<16xi32>
    %get3A_161 = arith.constant 4 : i32
    %get3A_162 = arith.index_cast %get3A_161 : i32 to index
    %get3A_163 = arith.constant 16 : index
    %get3A_164 = tpu.vector_load %arg8[%get3A_162, %get3A_163] {strides = array<i32>} : memref<6x128xf32, #tpu.memory_space<vmem>>, vector<1x16xf32>,
    %get3A_165 = vector.shape_cast %get3A_164 : vector<1x16xf32> to vector<16xf32>
    %gt3A_166 = arith.constant 5.000000e-01 : f32
    %gt3A_167 = vector.broadcast %gt3A_166 : f32 to vector<16xf32>
    %gt3A_168 = arith.cmpf ogt, %get3A_165, %gt3A_167 : vector<16xf32>
    %jit3A_169 = arith.constant 16 : i32
    %jit3A_170 = arith.constant 0 : i32
    %broadcast_in_dim3A_171 = vector.broadcast %jit3A_169 : i32 to vector<16xi32>
    %broadcast_in_dim3A_172 = vector.broadcast %jit3A_170 : i32 to vector<16xi32>
    %select_n3A_173 = arith.select %gt3A_168, %broadcast_in_dim3A_171, %broadcast_in_dim3A_172 : vector<16xi1>, vector<16xi32>
    %add3A_174 = arith.addi %add3A_160, %select_n3A_173 : vector<16xi32>
    %get3A_175 = arith.constant 5 : i32
    %get3A_176 = arith.index_cast %get3A_175 : i32 to index
    %get3A_177 = arith.constant 16 : index
    %get3A_178 = tpu.vector_load %arg8[%get3A_176, %get3A_177] {strides = array<i32>} : memref<6x128xf32, #tpu.memory_space<vmem>>, vector<1x16xf32>,
    %get3A_179 = vector.shape_cast %get3A_178 : vector<1x16xf32> to vector<16xf32>
    %gt3A_180 = arith.constant 5.000000e-01 : f32
    %gt3A_181 = vector.broadcast %gt3A_180 : f32 to vector<16xf32>
    %gt3A_182 = arith.cmpf ogt, %get3A_179, %gt3A_181 : vector<16xf32>
    %jit3A_183 = arith.constant 32 : i32
    %jit3A_184 = arith.constant 0 : i32
    %broadcast_in_dim3A_185 = vector.broadcast %jit3A_183 : i32 to vector<16xi32>
    %broadcast_in_dim3A_186 = vector.broadcast %jit3A_184 : i32 to vector<16xi32>
    %select_n3A_187 = arith.select %gt3A_182, %broadcast_in_dim3A_185, %broadcast_in_dim3A_186 : vector<16xi1>, vector<16xi32>
    %add3A_188 = arith.addi %add3A_174, %select_n3A_187 : vector<16xi32>
    %mul3A_189 = arith.constant 64 : i32
    %mul3A_190 = vector.broadcast %mul3A_189 : i32 to vector<16xi32>
    %mul3A_191 = arith.muli %get3A_102, %mul3A_190 : vector<16xi32>
    %add3A_192 = arith.addi %mul3A_191, %add3A_188 : vector<16xi32>
    %swap3A_193 = arith.constant 1 : i32
    %swap3A_194 = arith.index_cast %swap3A_193 : i32 to index
    %swap3A_195 = arith.constant 16 : index
    %swap3A_196 = tpu.vector_load %arg6[%swap3A_194, %swap3A_195] {strides = array<i32>} : memref<2x128xi32, #tpu.memory_space<vmem>>, vector<1x16xi32>,
    %swap3A_197 = vector.shape_cast %swap3A_196 : vector<1x16xi32> to vector<16xi32>
    %swap3A_198 = vector.shape_cast %add3A_192 : vector<16xi32> to vector<1x16xi32>
    tpu.vector_store %arg6[%swap3A_194, %swap3A_195], %swap3A_198 {strides = array<i32>} : memref<2x128xi32, #tpu.memory_space<vmem>>, vector<1x16xi32>,
    %get3A_199 = arith.constant 0 : i32
    %get3A_200 = arith.index_cast %get3A_199 : i32 to index
    %get3A_201 = arith.constant 32 : index
    %get3A_202 = tpu.vector_load %arg6[%get3A_200, %get3A_201] {strides = array<i32>} : memref<2x128xi32, #tpu.memory_space<vmem>>, vector<1x16xi32>,
    %get3A_203 = vector.shape_cast %get3A_202 : vector<1x16xi32> to vector<16xi32>
    %broadcast_in_dim3A_204 = arith.constant 0 : i32
    %broadcast_in_dim3A_205 = vector.broadcast %broadcast_in_dim3A_204 : i32 to vector<16xi32>
    %get3A_206 = arith.constant 0 : i32
    %get3A_207 = arith.index_cast %get3A_206 : i32 to index
    %get3A_208 = arith.constant 32 : index
    %get3A_209 = tpu.vector_load %arg8[%get3A_207, %get3A_208] {strides = array<i32>} : memref<6x128xf32, #tpu.memory_space<vmem>>, vector<1x16xf32>,
    %get3A_210 = vector.shape_cast %get3A_209 : vector<1x16xf32> to vector<16xf32>
    %gt3A_211 = arith.constant 5.000000e-01 : f32
    %gt3A_212 = vector.broadcast %gt3A_211 : f32 to vector<16xf32>
    %gt3A_213 = arith.cmpf ogt, %get3A_210, %gt3A_212 : vector<16xf32>
    %jit3A_214 = arith.constant 1 : i32
    %jit3A_215 = arith.constant 0 : i32
    %broadcast_in_dim3A_216 = vector.broadcast %jit3A_214 : i32 to vector<16xi32>
    %broadcast_in_dim3A_217 = vector.broadcast %jit3A_215 : i32 to vector<16xi32>
    %select_n3A_218 = arith.select %gt3A_213, %broadcast_in_dim3A_216, %broadcast_in_dim3A_217 : vector<16xi1>, vector<16xi32>
    %add3A_219 = arith.addi %broadcast_in_dim3A_205, %select_n3A_218 : vector<16xi32>
    %get3A_220 = arith.constant 1 : i32
    %get3A_221 = arith.index_cast %get3A_220 : i32 to index
    %get3A_222 = arith.constant 32 : index
    %get3A_223 = tpu.vector_load %arg8[%get3A_221, %get3A_222] {strides = array<i32>} : memref<6x128xf32, #tpu.memory_space<vmem>>, vector<1x16xf32>,
    %get3A_224 = vector.shape_cast %get3A_223 : vector<1x16xf32> to vector<16xf32>
    %gt3A_225 = arith.constant 5.000000e-01 : f32
    %gt3A_226 = vector.broadcast %gt3A_225 : f32 to vector<16xf32>
    %gt3A_227 = arith.cmpf ogt, %get3A_224, %gt3A_226 : vector<16xf32>
    %jit3A_228 = arith.constant 2 : i32
    %jit3A_229 = arith.constant 0 : i32
    %broadcast_in_dim3A_230 = vector.broadcast %jit3A_228 : i32 to vector<16xi32>
    %broadcast_in_dim3A_231 = vector.broadcast %jit3A_229 : i32 to vector<16xi32>
    %select_n3A_232 = arith.select %gt3A_227, %broadcast_in_dim3A_230, %broadcast_in_dim3A_231 : vector<16xi1>, vector<16xi32>
    %add3A_233 = arith.addi %add3A_219, %select_n3A_232 : vector<16xi32>
    %get3A_234 = arith.constant 2 : i32
    %get3A_235 = arith.index_cast %get3A_234 : i32 to index
    %get3A_236 = arith.constant 32 : index
    %get3A_237 = tpu.vector_load %arg8[%get3A_235, %get3A_236] {strides = array<i32>} : memref<6x128xf32, #tpu.memory_space<vmem>>, vector<1x16xf32>,
    %get3A_238 = vector.shape_cast %get3A_237 : vector<1x16xf32> to vector<16xf32>
    %gt3A_239 = arith.constant 5.000000e-01 : f32
    %gt3A_240 = vector.broadcast %gt3A_239 : f32 to vector<16xf32>
    %gt3A_241 = arith.cmpf ogt, %get3A_238, %gt3A_240 : vector<16xf32>
    %jit3A_242 = arith.constant 4 : i32
    %jit3A_243 = arith.constant 0 : i32
    %broadcast_in_dim3A_244 = vector.broadcast %jit3A_242 : i32 to vector<16xi32>
    %broadcast_in_dim3A_245 = vector.broadcast %jit3A_243 : i32 to vector<16xi32>
    %select_n3A_246 = arith.select %gt3A_241, %broadcast_in_dim3A_244, %broadcast_in_dim3A_245 : vector<16xi1>, vector<16xi32>
    %add3A_247 = arith.addi %add3A_233, %select_n3A_246 : vector<16xi32>
    %get3A_248 = arith.constant 3 : i32
    %get3A_249 = arith.index_cast %get3A_248 : i32 to index
    %get3A_250 = arith.constant 32 : index
    %get3A_251 = tpu.vector_load %arg8[%get3A_249, %get3A_250] {strides = array<i32>} : memref<6x128xf32, #tpu.memory_space<vmem>>, vector<1x16xf32>,
    %get3A_252 = vector.shape_cast %get3A_251 : vector<1x16xf32> to vector<16xf32>
    %gt3A_253 = arith.constant 5.000000e-01 : f32
    %gt3A_254 = vector.broadcast %gt3A_253 : f32 to vector<16xf32>
    %gt3A_255 = arith.cmpf ogt, %get3A_252, %gt3A_254 : vector<16xf32>
    %jit3A_256 = arith.constant 8 : i32
    %jit3A_257 = arith.constant 0 : i32
    %broadcast_in_dim3A_258 = vector.broadcast %jit3A_256 : i32 to vector<16xi32>
    %broadcast_in_dim3A_259 = vector.broadcast %jit3A_257 : i32 to vector<16xi32>
    %select_n3A_260 = arith.select %gt3A_255, %broadcast_in_dim3A_258, %broadcast_in_dim3A_259 : vector<16xi1>, vector<16xi32>
    %add3A_261 = arith.addi %add3A_247, %select_n3A_260 : vector<16xi32>
    %get3A_262 = arith.constant 4 : i32
    %get3A_263 = arith.index_cast %get3A_262 : i32 to index
    %get3A_264 = arith.constant 32 : index
    %get3A_265 = tpu.vector_load %arg8[%get3A_263, %get3A_264] {strides = array<i32>} : memref<6x128xf32, #tpu.memory_space<vmem>>, vector<1x16xf32>,
    %get3A_266 = vector.shape_cast %get3A_265 : vector<1x16xf32> to vector<16xf32>
    %gt3A_267 = arith.constant 5.000000e-01 : f32
    %gt3A_268 = vector.broadcast %gt3A_267 : f32 to vector<16xf32>
    %gt3A_269 = arith.cmpf ogt, %get3A_266, %gt3A_268 : vector<16xf32>
    %jit3A_270 = arith.constant 16 : i32
    %jit3A_271 = arith.constant 0 : i32
    %broadcast_in_dim3A_272 = vector.broadcast %jit3A_270 : i32 to vector<16xi32>
    %broadcast_in_dim3A_273 = vector.broadcast %jit3A_271 : i32 to vector<16xi32>
    %select_n3A_274 = arith.select %gt3A_269, %broadcast_in_dim3A_272, %broadcast_in_dim3A_273 : vector<16xi1>, vector<16xi32>
    %add3A_275 = arith.addi %add3A_261, %select_n3A_274 : vector<16xi32>
    %get3A_276 = arith.constant 5 : i32
    %get3A_277 = arith.index_cast %get3A_276 : i32 to index
    %get3A_278 = arith.constant 32 : index
    %get3A_279 = tpu.vector_load %arg8[%get3A_277, %get3A_278] {strides = array<i32>} : memref<6x128xf32, #tpu.memory_space<vmem>>, vector<1x16xf32>,
    %get3A_280 = vector.shape_cast %get3A_279 : vector<1x16xf32> to vector<16xf32>
    %gt3A_281 = arith.constant 5.000000e-01 : f32
    %gt3A_282 = vector.broadcast %gt3A_281 : f32 to vector<16xf32>
    %gt3A_283 = arith.cmpf ogt, %get3A_280, %gt3A_282 : vector<16xf32>
    %jit3A_284 = arith.constant 32 : i32
    %jit3A_285 = arith.constant 0 : i32
    %broadcast_in_dim3A_286 = vector.broadcast %jit3A_284 : i32 to vector<16xi32>
    %broadcast_in_dim3A_287 = vector.broadcast %jit3A_285 : i32 to vector<16xi32>
    %select_n3A_288 = arith.select %gt3A_283, %broadcast_in_dim3A_286, %broadcast_in_dim3A_287 : vector<16xi1>, vector<16xi32>
    %add3A_289 = arith.addi %add3A_275, %select_n3A_288 : vector<16xi32>
    %mul3A_290 = arith.constant 64 : i32
    %mul3A_291 = vector.broadcast %mul3A_290 : i32 to vector<16xi32>
    %mul3A_292 = arith.muli %get3A_203, %mul3A_291 : vector<16xi32>
    %add3A_293 = arith.addi %mul3A_292, %add3A_289 : vector<16xi32>
    %swap3A_294 = arith.constant 1 : i32
    %swap3A_295 = arith.index_cast %swap3A_294 : i32 to index
    %swap3A_296 = arith.constant 32 : index
    %swap3A_297 = tpu.vector_load %arg6[%swap3A_295, %swap3A_296] {strides = array<i32>} : memref<2x128xi32, #tpu.memory_space<vmem>>, vector<1x16xi32>,
    %swap3A_298 = vector.shape_cast %swap3A_297 : vector<1x16xi32> to vector<16xi32>
    %swap3A_299 = vector.shape_cast %add3A_293 : vector<16xi32> to vector<1x16xi32>
    tpu.vector_store %arg6[%swap3A_295, %swap3A_296], %swap3A_299 {strides = array<i32>} : memref<2x128xi32, #tpu.memory_space<vmem>>, vector<1x16xi32>,
    %get3A_300 = arith.constant 0 : i32
    %get3A_301 = arith.index_cast %get3A_300 : i32 to index
    %get3A_302 = arith.constant 48 : index
    %get3A_303 = tpu.vector_load %arg6[%get3A_301, %get3A_302] {strides = array<i32>} : memref<2x128xi32, #tpu.memory_space<vmem>>, vector<1x16xi32>,
    %get3A_304 = vector.shape_cast %get3A_303 : vector<1x16xi32> to vector<16xi32>
    %broadcast_in_dim3A_305 = arith.constant 0 : i32
    %broadcast_in_dim3A_306 = vector.broadcast %broadcast_in_dim3A_305 : i32 to vector<16xi32>
    %get3A_307 = arith.constant 0 : i32
    %get3A_308 = arith.index_cast %get3A_307 : i32 to index
    %get3A_309 = arith.constant 48 : index
    %get3A_310 = tpu.vector_load %arg8[%get3A_308, %get3A_309] {strides = array<i32>} : memref<6x128xf32, #tpu.memory_space<vmem>>, vector<1x16xf32>,
    %get3A_311 = vector.shape_cast %get3A_310 : vector<1x16xf32> to vector<16xf32>
    %gt3A_312 = arith.constant 5.000000e-01 : f32
    %gt3A_313 = vector.broadcast %gt3A_312 : f32 to vector<16xf32>
    %gt3A_314 = arith.cmpf ogt, %get3A_311, %gt3A_313 : vector<16xf32>
    %jit3A_315 = arith.constant 1 : i32
    %jit3A_316 = arith.constant 0 : i32
    %broadcast_in_dim3A_317 = vector.broadcast %jit3A_315 : i32 to vector<16xi32>
    %broadcast_in_dim3A_318 = vector.broadcast %jit3A_316 : i32 to vector<16xi32>
    %select_n3A_319 = arith.select %gt3A_314, %broadcast_in_dim3A_317, %broadcast_in_dim3A_318 : vector<16xi1>, vector<16xi32>
    %add3A_320 = arith.addi %broadcast_in_dim3A_306, %select_n3A_319 : vector<16xi32>
    %get3A_321 = arith.constant 1 : i32
    %get3A_322 = arith.index_cast %get3A_321 : i32 to index
    %get3A_323 = arith.constant 48 : index
    %get3A_324 = tpu.vector_load %arg8[%get3A_322, %get3A_323] {strides = array<i32>} : memref<6x128xf32, #tpu.memory_space<vmem>>, vector<1x16xf32>,
    %get3A_325 = vector.shape_cast %get3A_324 : vector<1x16xf32> to vector<16xf32>
    %gt3A_326 = arith.constant 5.000000e-01 : f32
    %gt3A_327 = vector.broadcast %gt3A_326 : f32 to vector<16xf32>
    %gt3A_328 = arith.cmpf ogt, %get3A_325, %gt3A_327 : vector<16xf32>
    %jit3A_329 = arith.constant 2 : i32
    %jit3A_330 = arith.constant 0 : i32
    %broadcast_in_dim3A_331 = vector.broadcast %jit3A_329 : i32 to vector<16xi32>
    %broadcast_in_dim3A_332 = vector.broadcast %jit3A_330 : i32 to vector<16xi32>
    %select_n3A_333 = arith.select %gt3A_328, %broadcast_in_dim3A_331, %broadcast_in_dim3A_332 : vector<16xi1>, vector<16xi32>
    %add3A_334 = arith.addi %add3A_320, %select_n3A_333 : vector<16xi32>
    %get3A_335 = arith.constant 2 : i32
    %get3A_336 = arith.index_cast %get3A_335 : i32 to index
    %get3A_337 = arith.constant 48 : index
    %get3A_338 = tpu.vector_load %arg8[%get3A_336, %get3A_337] {strides = array<i32>} : memref<6x128xf32, #tpu.memory_space<vmem>>, vector<1x16xf32>,
    %get3A_339 = vector.shape_cast %get3A_338 : vector<1x16xf32> to vector<16xf32>
    %gt3A_340 = arith.constant 5.000000e-01 : f32
    %gt3A_341 = vector.broadcast %gt3A_340 : f32 to vector<16xf32>
    %gt3A_342 = arith.cmpf ogt, %get3A_339, %gt3A_341 : vector<16xf32>
    %jit3A_343 = arith.constant 4 : i32
    %jit3A_344 = arith.constant 0 : i32
    %broadcast_in_dim3A_345 = vector.broadcast %jit3A_343 : i32 to vector<16xi32>
    %broadcast_in_dim3A_346 = vector.broadcast %jit3A_344 : i32 to vector<16xi32>
    %select_n3A_347 = arith.select %gt3A_342, %broadcast_in_dim3A_345, %broadcast_in_dim3A_346 : vector<16xi1>, vector<16xi32>
    %add3A_348 = arith.addi %add3A_334, %select_n3A_347 : vector<16xi32>
    %get3A_349 = arith.constant 3 : i32
    %get3A_350 = arith.index_cast %get3A_349 : i32 to index
    %get3A_351 = arith.constant 48 : index
    %get3A_352 = tpu.vector_load %arg8[%get3A_350, %get3A_351] {strides = array<i32>} : memref<6x128xf32, #tpu.memory_space<vmem>>, vector<1x16xf32>,
    %get3A_353 = vector.shape_cast %get3A_352 : vector<1x16xf32> to vector<16xf32>
    %gt3A_354 = arith.constant 5.000000e-01 : f32
    %gt3A_355 = vector.broadcast %gt3A_354 : f32 to vector<16xf32>
    %gt3A_356 = arith.cmpf ogt, %get3A_353, %gt3A_355 : vector<16xf32>
    %jit3A_357 = arith.constant 8 : i32
    %jit3A_358 = arith.constant 0 : i32
    %broadcast_in_dim3A_359 = vector.broadcast %jit3A_357 : i32 to vector<16xi32>
    %broadcast_in_dim3A_360 = vector.broadcast %jit3A_358 : i32 to vector<16xi32>
    %select_n3A_361 = arith.select %gt3A_356, %broadcast_in_dim3A_359, %broadcast_in_dim3A_360 : vector<16xi1>, vector<16xi32>
    %add3A_362 = arith.addi %add3A_348, %select_n3A_361 : vector<16xi32>
    %get3A_363 = arith.constant 4 : i32
    %get3A_364 = arith.index_cast %get3A_363 : i32 to index
    %get3A_365 = arith.constant 48 : index
    %get3A_366 = tpu.vector_load %arg8[%get3A_364, %get3A_365] {strides = array<i32>} : memref<6x128xf32, #tpu.memory_space<vmem>>, vector<1x16xf32>,
    %get3A_367 = vector.shape_cast %get3A_366 : vector<1x16xf32> to vector<16xf32>
    %gt3A_368 = arith.constant 5.000000e-01 : f32
    %gt3A_369 = vector.broadcast %gt3A_368 : f32 to vector<16xf32>
    %gt3A_370 = arith.cmpf ogt, %get3A_367, %gt3A_369 : vector<16xf32>
    %jit3A_371 = arith.constant 16 : i32
    %jit3A_372 = arith.constant 0 : i32
    %broadcast_in_dim3A_373 = vector.broadcast %jit3A_371 : i32 to vector<16xi32>
    %broadcast_in_dim3A_374 = vector.broadcast %jit3A_372 : i32 to vector<16xi32>
    %select_n3A_375 = arith.select %gt3A_370, %broadcast_in_dim3A_373, %broadcast_in_dim3A_374 : vector<16xi1>, vector<16xi32>
    %add3A_376 = arith.addi %add3A_362, %select_n3A_375 : vector<16xi32>
    %get3A_377 = arith.constant 5 : i32
    %get3A_378 = arith.index_cast %get3A_377 : i32 to index
    %get3A_379 = arith.constant 48 : index
    %get3A_380 = tpu.vector_load %arg8[%get3A_378, %get3A_379] {strides = array<i32>} : memref<6x128xf32, #tpu.memory_space<vmem>>, vector<1x16xf32>,
    %get3A_381 = vector.shape_cast %get3A_380 : vector<1x16xf32> to vector<16xf32>
    %gt3A_382 = arith.constant 5.000000e-01 : f32
    %gt3A_383 = vector.broadcast %gt3A_382 : f32 to vector<16xf32>
    %gt3A_384 = arith.cmpf ogt, %get3A_381, %gt3A_383 : vector<16xf32>
    %jit3A_385 = arith.constant 32 : i32
    %jit3A_386 = arith.constant 0 : i32
    %broadcast_in_dim3A_387 = vector.broadcast %jit3A_385 : i32 to vector<16xi32>
    %broadcast_in_dim3A_388 = vector.broadcast %jit3A_386 : i32 to vector<16xi32>
    %select_n3A_389 = arith.select %gt3A_384, %broadcast_in_dim3A_387, %broadcast_in_dim3A_388 : vector<16xi1>, vector<16xi32>
    %add3A_390 = arith.addi %add3A_376, %select_n3A_389 : vector<16xi32>
    %mul3A_391 = arith.constant 64 : i32
    %mul3A_392 = vector.broadcast %mul3A_391 : i32 to vector<16xi32>
    %mul3A_393 = arith.muli %get3A_304, %mul3A_392 : vector<16xi32>
    %add3A_394 = arith.addi %mul3A_393, %add3A_390 : vector<16xi32>
    %swap3A_395 = arith.constant 1 : i32
    %swap3A_396 = arith.index_cast %swap3A_395 : i32 to index
    %swap3A_397 = arith.constant 48 : index
    %swap3A_398 = tpu.vector_load %arg6[%swap3A_396, %swap3A_397] {strides = array<i32>} : memref<2x128xi32, #tpu.memory_space<vmem>>, vector<1x16xi32>,
    %swap3A_399 = vector.shape_cast %swap3A_398 : vector<1x16xi32> to vector<16xi32>
    %swap3A_400 = vector.shape_cast %add3A_394 : vector<16xi32> to vector<1x16xi32>
    tpu.vector_store %arg6[%swap3A_396, %swap3A_397], %swap3A_400 {strides = array<i32>} : memref<2x128xi32, #tpu.memory_space<vmem>>, vector<1x16xi32>,
    %get3A_401 = arith.constant 0 : i32
    %get3A_402 = arith.index_cast %get3A_401 : i32 to index
    %get3A_403 = arith.constant 64 : index
    %get3A_404 = tpu.vector_load %arg6[%get3A_402, %get3A_403] {strides = array<i32>} : memref<2x128xi32, #tpu.memory_space<vmem>>, vector<1x16xi32>,
    %get3A_405 = vector.shape_cast %get3A_404 : vector<1x16xi32> to vector<16xi32>
    %broadcast_in_dim3A_406 = arith.constant 0 : i32
    %broadcast_in_dim3A_407 = vector.broadcast %broadcast_in_dim3A_406 : i32 to vector<16xi32>
    %get3A_408 = arith.constant 0 : i32
    %get3A_409 = arith.index_cast %get3A_408 : i32 to index
    %get3A_410 = arith.constant 64 : index
    %get3A_411 = tpu.vector_load %arg8[%get3A_409, %get3A_410] {strides = array<i32>} : memref<6x128xf32, #tpu.memory_space<vmem>>, vector<1x16xf32>,
    %get3A_412 = vector.shape_cast %get3A_411 : vector<1x16xf32> to vector<16xf32>
    %gt3A_413 = arith.constant 5.000000e-01 : f32
    %gt3A_414 = vector.broadcast %gt3A_413 : f32 to vector<16xf32>
    %gt3A_415 = arith.cmpf ogt, %get3A_412, %gt3A_414 : vector<16xf32>
    %jit3A_416 = arith.constant 1 : i32
    %jit3A_417 = arith.constant 0 : i32
    %broadcast_in_dim3A_418 = vector.broadcast %jit3A_416 : i32 to vector<16xi32>
    %broadcast_in_dim3A_419 = vector.broadcast %jit3A_417 : i32 to vector<16xi32>
    %select_n3A_420 = arith.select %gt3A_415, %broadcast_in_dim3A_418, %broadcast_in_dim3A_419 : vector<16xi1>, vector<16xi32>
    %add3A_421 = arith.addi %broadcast_in_dim3A_407, %select_n3A_420 : vector<16xi32>
    %get3A_422 = arith.constant 1 : i32
    %get3A_423 = arith.index_cast %get3A_422 : i32 to index
    %get3A_424 = arith.constant 64 : index
    %get3A_425 = tpu.vector_load %arg8[%get3A_423, %get3A_424] {strides = array<i32>} : memref<6x128xf32, #tpu.memory_space<vmem>>, vector<1x16xf32>,
    %get3A_426 = vector.shape_cast %get3A_425 : vector<1x16xf32> to vector<16xf32>
    %gt3A_427 = arith.constant 5.000000e-01 : f32
    %gt3A_428 = vector.broadcast %gt3A_427 : f32 to vector<16xf32>
    %gt3A_429 = arith.cmpf ogt, %get3A_426, %gt3A_428 : vector<16xf32>
    %jit3A_430 = arith.constant 2 : i32
    %jit3A_431 = arith.constant 0 : i32
    %broadcast_in_dim3A_432 = vector.broadcast %jit3A_430 : i32 to vector<16xi32>
    %broadcast_in_dim3A_433 = vector.broadcast %jit3A_431 : i32 to vector<16xi32>
    %select_n3A_434 = arith.select %gt3A_429, %broadcast_in_dim3A_432, %broadcast_in_dim3A_433 : vector<16xi1>, vector<16xi32>
    %add3A_435 = arith.addi %add3A_421, %select_n3A_434 : vector<16xi32>
    %get3A_436 = arith.constant 2 : i32
    %get3A_437 = arith.index_cast %get3A_436 : i32 to index
    %get3A_438 = arith.constant 64 : index
    %get3A_439 = tpu.vector_load %arg8[%get3A_437, %get3A_438] {strides = array<i32>} : memref<6x128xf32, #tpu.memory_space<vmem>>, vector<1x16xf32>,
    %get3A_440 = vector.shape_cast %get3A_439 : vector<1x16xf32> to vector<16xf32>
    %gt3A_441 = arith.constant 5.000000e-01 : f32
    %gt3A_442 = vector.broadcast %gt3A_441 : f32 to vector<16xf32>
    %gt3A_443 = arith.cmpf ogt, %get3A_440, %gt3A_442 : vector<16xf32>
    %jit3A_444 = arith.constant 4 : i32
    %jit3A_445 = arith.constant 0 : i32
    %broadcast_in_dim3A_446 = vector.broadcast %jit3A_444 : i32 to vector<16xi32>
    %broadcast_in_dim3A_447 = vector.broadcast %jit3A_445 : i32 to vector<16xi32>
    %select_n3A_448 = arith.select %gt3A_443, %broadcast_in_dim3A_446, %broadcast_in_dim3A_447 : vector<16xi1>, vector<16xi32>
    %add3A_449 = arith.addi %add3A_435, %select_n3A_448 : vector<16xi32>
    %get3A_450 = arith.constant 3 : i32
    %get3A_451 = arith.index_cast %get3A_450 : i32 to index
    %get3A_452 = arith.constant 64 : index
    %get3A_453 = tpu.vector_load %arg8[%get3A_451, %get3A_452] {strides = array<i32>} : memref<6x128xf32, #tpu.memory_space<vmem>>, vector<1x16xf32>,
    %get3A_454 = vector.shape_cast %get3A_453 : vector<1x16xf32> to vector<16xf32>
    %gt3A_455 = arith.constant 5.000000e-01 : f32
    %gt3A_456 = vector.broadcast %gt3A_455 : f32 to vector<16xf32>
    %gt3A_457 = arith.cmpf ogt, %get3A_454, %gt3A_456 : vector<16xf32>
    %jit3A_458 = arith.constant 8 : i32
    %jit3A_459 = arith.constant 0 : i32
    %broadcast_in_dim3A_460 = vector.broadcast %jit3A_458 : i32 to vector<16xi32>
    %broadcast_in_dim3A_461 = vector.broadcast %jit3A_459 : i32 to vector<16xi32>
    %select_n3A_462 = arith.select %gt3A_457, %broadcast_in_dim3A_460, %broadcast_in_dim3A_461 : vector<16xi1>, vector<16xi32>
    %add3A_463 = arith.addi %add3A_449, %select_n3A_462 : vector<16xi32>
    %get3A_464 = arith.constant 4 : i32
    %get3A_465 = arith.index_cast %get3A_464 : i32 to index
    %get3A_466 = arith.constant 64 : index
    %get3A_467 = tpu.vector_load %arg8[%get3A_465, %get3A_466] {strides = array<i32>} : memref<6x128xf32, #tpu.memory_space<vmem>>, vector<1x16xf32>,
    %get3A_468 = vector.shape_cast %get3A_467 : vector<1x16xf32> to vector<16xf32>
    %gt3A_469 = arith.constant 5.000000e-01 : f32
    %gt3A_470 = vector.broadcast %gt3A_469 : f32 to vector<16xf32>
    %gt3A_471 = arith.cmpf ogt, %get3A_468, %gt3A_470 : vector<16xf32>
    %jit3A_472 = arith.constant 16 : i32
    %jit3A_473 = arith.constant 0 : i32
    %broadcast_in_dim3A_474 = vector.broadcast %jit3A_472 : i32 to vector<16xi32>
    %broadcast_in_dim3A_475 = vector.broadcast %jit3A_473 : i32 to vector<16xi32>
    %select_n3A_476 = arith.select %gt3A_471, %broadcast_in_dim3A_474, %broadcast_in_dim3A_475 : vector<16xi1>, vector<16xi32>
    %add3A_477 = arith.addi %add3A_463, %select_n3A_476 : vector<16xi32>
    %get3A_478 = arith.constant 5 : i32
    %get3A_479 = arith.index_cast %get3A_478 : i32 to index
    %get3A_480 = arith.constant 64 : index
    %get3A_481 = tpu.vector_load %arg8[%get3A_479, %get3A_480] {strides = array<i32>} : memref<6x128xf32, #tpu.memory_space<vmem>>, vector<1x16xf32>,
    %get3A_482 = vector.shape_cast %get3A_481 : vector<1x16xf32> to vector<16xf32>
    %gt3A_483 = arith.constant 5.000000e-01 : f32
    %gt3A_484 = vector.broadcast %gt3A_483 : f32 to vector<16xf32>
    %gt3A_485 = arith.cmpf ogt, %get3A_482, %gt3A_484 : vector<16xf32>
    %jit3A_486 = arith.constant 32 : i32
    %jit3A_487 = arith.constant 0 : i32
    %broadcast_in_dim3A_488 = vector.broadcast %jit3A_486 : i32 to vector<16xi32>
    %broadcast_in_dim3A_489 = vector.broadcast %jit3A_487 : i32 to vector<16xi32>
    %select_n3A_490 = arith.select %gt3A_485, %broadcast_in_dim3A_488, %broadcast_in_dim3A_489 : vector<16xi1>, vector<16xi32>
    %add3A_491 = arith.addi %add3A_477, %select_n3A_490 : vector<16xi32>
    %mul3A_492 = arith.constant 64 : i32
    %mul3A_493 = vector.broadcast %mul3A_492 : i32 to vector<16xi32>
    %mul3A_494 = arith.muli %get3A_405, %mul3A_493 : vector<16xi32>
    %add3A_495 = arith.addi %mul3A_494, %add3A_491 : vector<16xi32>
    %swap3A_496 = arith.constant 1 : i32
    %swap3A_497 = arith.index_cast %swap3A_496 : i32 to index
    %swap3A_498 = arith.constant 64 : index
    %swap3A_499 = tpu.vector_load %arg6[%swap3A_497, %swap3A_498] {strides = array<i32>} : memref<2x128xi32, #tpu.memory_space<vmem>>, vector<1x16xi32>,
    %swap3A_500 = vector.shape_cast %swap3A_499 : vector<1x16xi32> to vector<16xi32>
    %swap3A_501 = vector.shape_cast %add3A_495 : vector<16xi32> to vector<1x16xi32>
    tpu.vector_store %arg6[%swap3A_497, %swap3A_498], %swap3A_501 {strides = array<i32>} : memref<2x128xi32, #tpu.memory_space<vmem>>, vector<1x16xi32>,
    %get3A_502 = arith.constant 0 : i32
    %get3A_503 = arith.index_cast %get3A_502 : i32 to index
    %get3A_504 = arith.constant 80 : index
    %get3A_505 = tpu.vector_load %arg6[%get3A_503, %get3A_504] {strides = array<i32>} : memref<2x128xi32, #tpu.memory_space<vmem>>, vector<1x16xi32>,
    %get3A_506 = vector.shape_cast %get3A_505 : vector<1x16xi32> to vector<16xi32>
    %broadcast_in_dim3A_507 = arith.constant 0 : i32
    %broadcast_in_dim3A_508 = vector.broadcast %broadcast_in_dim3A_507 : i32 to vector<16xi32>
    %get3A_509 = arith.constant 0 : i32
    %get3A_510 = arith.index_cast %get3A_509 : i32 to index
    %get3A_511 = arith.constant 80 : index
    %get3A_512 = tpu.vector_load %arg8[%get3A_510, %get3A_511] {strides = array<i32>} : memref<6x128xf32, #tpu.memory_space<vmem>>, vector<1x16xf32>,
    %get3A_513 = vector.shape_cast %get3A_512 : vector<1x16xf32> to vector<16xf32>
    %gt3A_514 = arith.constant 5.000000e-01 : f32
    %gt3A_515 = vector.broadcast %gt3A_514 : f32 to vector<16xf32>
    %gt3A_516 = arith.cmpf ogt, %get3A_513, %gt3A_515 : vector<16xf32>
    %jit3A_517 = arith.constant 1 : i32
    %jit3A_518 = arith.constant 0 : i32
    %broadcast_in_dim3A_519 = vector.broadcast %jit3A_517 : i32 to vector<16xi32>
    %broadcast_in_dim3A_520 = vector.broadcast %jit3A_518 : i32 to vector<16xi32>
    %select_n3A_521 = arith.select %gt3A_516, %broadcast_in_dim3A_519, %broadcast_in_dim3A_520 : vector<16xi1>, vector<16xi32>
    %add3A_522 = arith.addi %broadcast_in_dim3A_508, %select_n3A_521 : vector<16xi32>
    %get3A_523 = arith.constant 1 : i32
    %get3A_524 = arith.index_cast %get3A_523 : i32 to index
    %get3A_525 = arith.constant 80 : index
    %get3A_526 = tpu.vector_load %arg8[%get3A_524, %get3A_525] {strides = array<i32>} : memref<6x128xf32, #tpu.memory_space<vmem>>, vector<1x16xf32>,
    %get3A_527 = vector.shape_cast %get3A_526 : vector<1x16xf32> to vector<16xf32>
    %gt3A_528 = arith.constant 5.000000e-01 : f32
    %gt3A_529 = vector.broadcast %gt3A_528 : f32 to vector<16xf32>
    %gt3A_530 = arith.cmpf ogt, %get3A_527, %gt3A_529 : vector<16xf32>
    %jit3A_531 = arith.constant 2 : i32
    %jit3A_532 = arith.constant 0 : i32
    %broadcast_in_dim3A_533 = vector.broadcast %jit3A_531 : i32 to vector<16xi32>
    %broadcast_in_dim3A_534 = vector.broadcast %jit3A_532 : i32 to vector<16xi32>
    %select_n3A_535 = arith.select %gt3A_530, %broadcast_in_dim3A_533, %broadcast_in_dim3A_534 : vector<16xi1>, vector<16xi32>
    %add3A_536 = arith.addi %add3A_522, %select_n3A_535 : vector<16xi32>
    %get3A_537 = arith.constant 2 : i32
    %get3A_538 = arith.index_cast %get3A_537 : i32 to index
    %get3A_539 = arith.constant 80 : index
    %get3A_540 = tpu.vector_load %arg8[%get3A_538, %get3A_539] {strides = array<i32>} : memref<6x128xf32, #tpu.memory_space<vmem>>, vector<1x16xf32>,
    %get3A_541 = vector.shape_cast %get3A_540 : vector<1x16xf32> to vector<16xf32>
    %gt3A_542 = arith.constant 5.000000e-01 : f32
    %gt3A_543 = vector.broadcast %gt3A_542 : f32 to vector<16xf32>
    %gt3A_544 = arith.cmpf ogt, %get3A_541, %gt3A_543 : vector<16xf32>
    %jit3A_545 = arith.constant 4 : i32
    %jit3A_546 = arith.constant 0 : i32
    %broadcast_in_dim3A_547 = vector.broadcast %jit3A_545 : i32 to vector<16xi32>
    %broadcast_in_dim3A_548 = vector.broadcast %jit3A_546 : i32 to vector<16xi32>
    %select_n3A_549 = arith.select %gt3A_544, %broadcast_in_dim3A_547, %broadcast_in_dim3A_548 : vector<16xi1>, vector<16xi32>
    %add3A_550 = arith.addi %add3A_536, %select_n3A_549 : vector<16xi32>
    %get3A_551 = arith.constant 3 : i32
    %get3A_552 = arith.index_cast %get3A_551 : i32 to index
    %get3A_553 = arith.constant 80 : index
    %get3A_554 = tpu.vector_load %arg8[%get3A_552, %get3A_553] {strides = array<i32>} : memref<6x128xf32, #tpu.memory_space<vmem>>, vector<1x16xf32>,
    %get3A_555 = vector.shape_cast %get3A_554 : vector<1x16xf32> to vector<16xf32>
    %gt3A_556 = arith.constant 5.000000e-01 : f32
    %gt3A_557 = vector.broadcast %gt3A_556 : f32 to vector<16xf32>
    %gt3A_558 = arith.cmpf ogt, %get3A_555, %gt3A_557 : vector<16xf32>
    %jit3A_559 = arith.constant 8 : i32
    %jit3A_560 = arith.constant 0 : i32
    %broadcast_in_dim3A_561 = vector.broadcast %jit3A_559 : i32 to vector<16xi32>
    %broadcast_in_dim3A_562 = vector.broadcast %jit3A_560 : i32 to vector<16xi32>
    %select_n3A_563 = arith.select %gt3A_558, %broadcast_in_dim3A_561, %broadcast_in_dim3A_562 : vector<16xi1>, vector<16xi32>
    %add3A_564 = arith.addi %add3A_550, %select_n3A_563 : vector<16xi32>
    %get3A_565 = arith.constant 4 : i32
    %get3A_566 = arith.index_cast %get3A_565 : i32 to index
    %get3A_567 = arith.constant 80 : index
    %get3A_568 = tpu.vector_load %arg8[%get3A_566, %get3A_567] {strides = array<i32>} : memref<6x128xf32, #tpu.memory_space<vmem>>, vector<1x16xf32>,
    %get3A_569 = vector.shape_cast %get3A_568 : vector<1x16xf32> to vector<16xf32>
    %gt3A_570 = arith.constant 5.000000e-01 : f32
    %gt3A_571 = vector.broadcast %gt3A_570 : f32 to vector<16xf32>
    %gt3A_572 = arith.cmpf ogt, %get3A_569, %gt3A_571 : vector<16xf32>
    %jit3A_573 = arith.constant 16 : i32
    %jit3A_574 = arith.constant 0 : i32
    %broadcast_in_dim3A_575 = vector.broadcast %jit3A_573 : i32 to vector<16xi32>
    %broadcast_in_dim3A_576 = vector.broadcast %jit3A_574 : i32 to vector<16xi32>
    %select_n3A_577 = arith.select %gt3A_572, %broadcast_in_dim3A_575, %broadcast_in_dim3A_576 : vector<16xi1>, vector<16xi32>
    %add3A_578 = arith.addi %add3A_564, %select_n3A_577 : vector<16xi32>
    %get3A_579 = arith.constant 5 : i32
    %get3A_580 = arith.index_cast %get3A_579 : i32 to index
    %get3A_581 = arith.constant 80 : index
    %get3A_582 = tpu.vector_load %arg8[%get3A_580, %get3A_581] {strides = array<i32>} : memref<6x128xf32, #tpu.memory_space<vmem>>, vector<1x16xf32>,
    %get3A_583 = vector.shape_cast %get3A_582 : vector<1x16xf32> to vector<16xf32>
    %gt3A_584 = arith.constant 5.000000e-01 : f32
    %gt3A_585 = vector.broadcast %gt3A_584 : f32 to vector<16xf32>
    %gt3A_586 = arith.cmpf ogt, %get3A_583, %gt3A_585 : vector<16xf32>
    %jit3A_587 = arith.constant 32 : i32
    %jit3A_588 = arith.constant 0 : i32
    %broadcast_in_dim3A_589 = vector.broadcast %jit3A_587 : i32 to vector<16xi32>
    %broadcast_in_dim3A_590 = vector.broadcast %jit3A_588 : i32 to vector<16xi32>
    %select_n3A_591 = arith.select %gt3A_586, %broadcast_in_dim3A_589, %broadcast_in_dim3A_590 : vector<16xi1>, vector<16xi32>
    %add3A_592 = arith.addi %add3A_578, %select_n3A_591 : vector<16xi32>
    %mul3A_593 = arith.constant 64 : i32
    %mul3A_594 = vector.broadcast %mul3A_593 : i32 to vector<16xi32>
    %mul3A_595 = arith.muli %get3A_506, %mul3A_594 : vector<16xi32>
    %add3A_596 = arith.addi %mul3A_595, %add3A_592 : vector<16xi32>
    %swap3A_597 = arith.constant 1 : i32
    %swap3A_598 = arith.index_cast %swap3A_597 : i32 to index
    %swap3A_599 = arith.constant 80 : index
    %swap3A_600 = tpu.vector_load %arg6[%swap3A_598, %swap3A_599] {strides = array<i32>} : memref<2x128xi32, #tpu.memory_space<vmem>>, vector<1x16xi32>,
    %swap3A_601 = vector.shape_cast %swap3A_600 : vector<1x16xi32> to vector<16xi32>
    %swap3A_602 = vector.shape_cast %add3A_596 : vector<16xi32> to vector<1x16xi32>
    tpu.vector_store %arg6[%swap3A_598, %swap3A_599], %swap3A_602 {strides = array<i32>} : memref<2x128xi32, #tpu.memory_space<vmem>>, vector<1x16xi32>,
    %get3A_603 = arith.constant 0 : i32
    %get3A_604 = arith.index_cast %get3A_603 : i32 to index
    %get3A_605 = arith.constant 96 : index
    %get3A_606 = tpu.vector_load %arg6[%get3A_604, %get3A_605] {strides = array<i32>} : memref<2x128xi32, #tpu.memory_space<vmem>>, vector<1x16xi32>,
    %get3A_607 = vector.shape_cast %get3A_606 : vector<1x16xi32> to vector<16xi32>
    %broadcast_in_dim3A_608 = arith.constant 0 : i32
    %broadcast_in_dim3A_609 = vector.broadcast %broadcast_in_dim3A_608 : i32 to vector<16xi32>
    %get3A_610 = arith.constant 0 : i32
    %get3A_611 = arith.index_cast %get3A_610 : i32 to index
    %get3A_612 = arith.constant 96 : index
    %get3A_613 = tpu.vector_load %arg8[%get3A_611, %get3A_612] {strides = array<i32>} : memref<6x128xf32, #tpu.memory_space<vmem>>, vector<1x16xf32>,
    %get3A_614 = vector.shape_cast %get3A_613 : vector<1x16xf32> to vector<16xf32>
    %gt3A_615 = arith.constant 5.000000e-01 : f32
    %gt3A_616 = vector.broadcast %gt3A_615 : f32 to vector<16xf32>
    %gt3A_617 = arith.cmpf ogt, %get3A_614, %gt3A_616 : vector<16xf32>
    %jit3A_618 = arith.constant 1 : i32
    %jit3A_619 = arith.constant 0 : i32
    %broadcast_in_dim3A_620 = vector.broadcast %jit3A_618 : i32 to vector<16xi32>
    %broadcast_in_dim3A_621 = vector.broadcast %jit3A_619 : i32 to vector<16xi32>
    %select_n3A_622 = arith.select %gt3A_617, %broadcast_in_dim3A_620, %broadcast_in_dim3A_621 : vector<16xi1>, vector<16xi32>
    %add3A_623 = arith.addi %broadcast_in_dim3A_609, %select_n3A_622 : vector<16xi32>
    %get3A_624 = arith.constant 1 : i32
    %get3A_625 = arith.index_cast %get3A_624 : i32 to index
    %get3A_626 = arith.constant 96 : index
    %get3A_627 = tpu.vector_load %arg8[%get3A_625, %get3A_626] {strides = array<i32>} : memref<6x128xf32, #tpu.memory_space<vmem>>, vector<1x16xf32>,
    %get3A_628 = vector.shape_cast %get3A_627 : vector<1x16xf32> to vector<16xf32>
    %gt3A_629 = arith.constant 5.000000e-01 : f32
    %gt3A_630 = vector.broadcast %gt3A_629 : f32 to vector<16xf32>
    %gt3A_631 = arith.cmpf ogt, %get3A_628, %gt3A_630 : vector<16xf32>
    %jit3A_632 = arith.constant 2 : i32
    %jit3A_633 = arith.constant 0 : i32
    %broadcast_in_dim3A_634 = vector.broadcast %jit3A_632 : i32 to vector<16xi32>
    %broadcast_in_dim3A_635 = vector.broadcast %jit3A_633 : i32 to vector<16xi32>
    %select_n3A_636 = arith.select %gt3A_631, %broadcast_in_dim3A_634, %broadcast_in_dim3A_635 : vector<16xi1>, vector<16xi32>
    %add3A_637 = arith.addi %add3A_623, %select_n3A_636 : vector<16xi32>
    %get3A_638 = arith.constant 2 : i32
    %get3A_639 = arith.index_cast %get3A_638 : i32 to index
    %get3A_640 = arith.constant 96 : index
    %get3A_641 = tpu.vector_load %arg8[%get3A_639, %get3A_640] {strides = array<i32>} : memref<6x128xf32, #tpu.memory_space<vmem>>, vector<1x16xf32>,
    %get3A_642 = vector.shape_cast %get3A_641 : vector<1x16xf32> to vector<16xf32>
    %gt3A_643 = arith.constant 5.000000e-01 : f32
    %gt3A_644 = vector.broadcast %gt3A_643 : f32 to vector<16xf32>
    %gt3A_645 = arith.cmpf ogt, %get3A_642, %gt3A_644 : vector<16xf32>
    %jit3A_646 = arith.constant 4 : i32
    %jit3A_647 = arith.constant 0 : i32
    %broadcast_in_dim3A_648 = vector.broadcast %jit3A_646 : i32 to vector<16xi32>
    %broadcast_in_dim3A_649 = vector.broadcast %jit3A_647 : i32 to vector<16xi32>
    %select_n3A_650 = arith.select %gt3A_645, %broadcast_in_dim3A_648, %broadcast_in_dim3A_649 : vector<16xi1>, vector<16xi32>
    %add3A_651 = arith.addi %add3A_637, %select_n3A_650 : vector<16xi32>
    %get3A_652 = arith.constant 3 : i32
    %get3A_653 = arith.index_cast %get3A_652 : i32 to index
    %get3A_654 = arith.constant 96 : index
    %get3A_655 = tpu.vector_load %arg8[%get3A_653, %get3A_654] {strides = array<i32>} : memref<6x128xf32, #tpu.memory_space<vmem>>, vector<1x16xf32>,
    %get3A_656 = vector.shape_cast %get3A_655 : vector<1x16xf32> to vector<16xf32>
    %gt3A_657 = arith.constant 5.000000e-01 : f32
    %gt3A_658 = vector.broadcast %gt3A_657 : f32 to vector<16xf32>
    %gt3A_659 = arith.cmpf ogt, %get3A_656, %gt3A_658 : vector<16xf32>
    %jit3A_660 = arith.constant 8 : i32
    %jit3A_661 = arith.constant 0 : i32
    %broadcast_in_dim3A_662 = vector.broadcast %jit3A_660 : i32 to vector<16xi32>
    %broadcast_in_dim3A_663 = vector.broadcast %jit3A_661 : i32 to vector<16xi32>
    %select_n3A_664 = arith.select %gt3A_659, %broadcast_in_dim3A_662, %broadcast_in_dim3A_663 : vector<16xi1>, vector<16xi32>
    %add3A_665 = arith.addi %add3A_651, %select_n3A_664 : vector<16xi32>
    %get3A_666 = arith.constant 4 : i32
    %get3A_667 = arith.index_cast %get3A_666 : i32 to index
    %get3A_668 = arith.constant 96 : index
    %get3A_669 = tpu.vector_load %arg8[%get3A_667, %get3A_668] {strides = array<i32>} : memref<6x128xf32, #tpu.memory_space<vmem>>, vector<1x16xf32>,
    %get3A_670 = vector.shape_cast %get3A_669 : vector<1x16xf32> to vector<16xf32>
    %gt3A_671 = arith.constant 5.000000e-01 : f32
    %gt3A_672 = vector.broadcast %gt3A_671 : f32 to vector<16xf32>
    %gt3A_673 = arith.cmpf ogt, %get3A_670, %gt3A_672 : vector<16xf32>
    %jit3A_674 = arith.constant 16 : i32
    %jit3A_675 = arith.constant 0 : i32
    %broadcast_in_dim3A_676 = vector.broadcast %jit3A_674 : i32 to vector<16xi32>
    %broadcast_in_dim3A_677 = vector.broadcast %jit3A_675 : i32 to vector<16xi32>
    %select_n3A_678 = arith.select %gt3A_673, %broadcast_in_dim3A_676, %broadcast_in_dim3A_677 : vector<16xi1>, vector<16xi32>
    %add3A_679 = arith.addi %add3A_665, %select_n3A_678 : vector<16xi32>
    %get3A_680 = arith.constant 5 : i32
    %get3A_681 = arith.index_cast %get3A_680 : i32 to index
    %get3A_682 = arith.constant 96 : index
    %get3A_683 = tpu.vector_load %arg8[%get3A_681, %get3A_682] {strides = array<i32>} : memref<6x128xf32, #tpu.memory_space<vmem>>, vector<1x16xf32>,
    %get3A_684 = vector.shape_cast %get3A_683 : vector<1x16xf32> to vector<16xf32>
    %gt3A_685 = arith.constant 5.000000e-01 : f32
    %gt3A_686 = vector.broadcast %gt3A_685 : f32 to vector<16xf32>
    %gt3A_687 = arith.cmpf ogt, %get3A_684, %gt3A_686 : vector<16xf32>
    %jit3A_688 = arith.constant 32 : i32
    %jit3A_689 = arith.constant 0 : i32
    %broadcast_in_dim3A_690 = vector.broadcast %jit3A_688 : i32 to vector<16xi32>
    %broadcast_in_dim3A_691 = vector.broadcast %jit3A_689 : i32 to vector<16xi32>
    %select_n3A_692 = arith.select %gt3A_687, %broadcast_in_dim3A_690, %broadcast_in_dim3A_691 : vector<16xi1>, vector<16xi32>
    %add3A_693 = arith.addi %add3A_679, %select_n3A_692 : vector<16xi32>
    %mul3A_694 = arith.constant 64 : i32
    %mul3A_695 = vector.broadcast %mul3A_694 : i32 to vector<16xi32>
    %mul3A_696 = arith.muli %get3A_607, %mul3A_695 : vector<16xi32>
    %add3A_697 = arith.addi %mul3A_696, %add3A_693 : vector<16xi32>
    %swap3A_698 = arith.constant 1 : i32
    %swap3A_699 = arith.index_cast %swap3A_698 : i32 to index
    %swap3A_700 = arith.constant 96 : index
    %swap3A_701 = tpu.vector_load %arg6[%swap3A_699, %swap3A_700] {strides = array<i32>} : memref<2x128xi32, #tpu.memory_space<vmem>>, vector<1x16xi32>,
    %swap3A_702 = vector.shape_cast %swap3A_701 : vector<1x16xi32> to vector<16xi32>
    %swap3A_703 = vector.shape_cast %add3A_697 : vector<16xi32> to vector<1x16xi32>
    tpu.vector_store %arg6[%swap3A_699, %swap3A_700], %swap3A_703 {strides = array<i32>} : memref<2x128xi32, #tpu.memory_space<vmem>>, vector<1x16xi32>,
    %get3A_704 = arith.constant 0 : i32
    %get3A_705 = arith.index_cast %get3A_704 : i32 to index
    %get3A_706 = arith.constant 112 : index
    %get3A_707 = tpu.vector_load %arg6[%get3A_705, %get3A_706] {strides = array<i32>} : memref<2x128xi32, #tpu.memory_space<vmem>>, vector<1x16xi32>,
    %get3A_708 = vector.shape_cast %get3A_707 : vector<1x16xi32> to vector<16xi32>
    %broadcast_in_dim3A_709 = arith.constant 0 : i32
    %broadcast_in_dim3A_710 = vector.broadcast %broadcast_in_dim3A_709 : i32 to vector<16xi32>
    %get3A_711 = arith.constant 0 : i32
    %get3A_712 = arith.index_cast %get3A_711 : i32 to index
    %get3A_713 = arith.constant 112 : index
    %get3A_714 = tpu.vector_load %arg8[%get3A_712, %get3A_713] {strides = array<i32>} : memref<6x128xf32, #tpu.memory_space<vmem>>, vector<1x16xf32>,
    %get3A_715 = vector.shape_cast %get3A_714 : vector<1x16xf32> to vector<16xf32>
    %gt3A_716 = arith.constant 5.000000e-01 : f32
    %gt3A_717 = vector.broadcast %gt3A_716 : f32 to vector<16xf32>
    %gt3A_718 = arith.cmpf ogt, %get3A_715, %gt3A_717 : vector<16xf32>
    %jit3A_719 = arith.constant 1 : i32
    %jit3A_720 = arith.constant 0 : i32
    %broadcast_in_dim3A_721 = vector.broadcast %jit3A_719 : i32 to vector<16xi32>
    %broadcast_in_dim3A_722 = vector.broadcast %jit3A_720 : i32 to vector<16xi32>
    %select_n3A_723 = arith.select %gt3A_718, %broadcast_in_dim3A_721, %broadcast_in_dim3A_722 : vector<16xi1>, vector<16xi32>
    %add3A_724 = arith.addi %broadcast_in_dim3A_710, %select_n3A_723 : vector<16xi32>
    %get3A_725 = arith.constant 1 : i32
    %get3A_726 = arith.index_cast %get3A_725 : i32 to index
    %get3A_727 = arith.constant 112 : index
    %get3A_728 = tpu.vector_load %arg8[%get3A_726, %get3A_727] {strides = array<i32>} : memref<6x128xf32, #tpu.memory_space<vmem>>, vector<1x16xf32>,
    %get3A_729 = vector.shape_cast %get3A_728 : vector<1x16xf32> to vector<16xf32>
    %gt3A_730 = arith.constant 5.000000e-01 : f32
    %gt3A_731 = vector.broadcast %gt3A_730 : f32 to vector<16xf32>
    %gt3A_732 = arith.cmpf ogt, %get3A_729, %gt3A_731 : vector<16xf32>
    %jit3A_733 = arith.constant 2 : i32
    %jit3A_734 = arith.constant 0 : i32
    %broadcast_in_dim3A_735 = vector.broadcast %jit3A_733 : i32 to vector<16xi32>
    %broadcast_in_dim3A_736 = vector.broadcast %jit3A_734 : i32 to vector<16xi32>
    %select_n3A_737 = arith.select %gt3A_732, %broadcast_in_dim3A_735, %broadcast_in_dim3A_736 : vector<16xi1>, vector<16xi32>
    %add3A_738 = arith.addi %add3A_724, %select_n3A_737 : vector<16xi32>
    %get3A_739 = arith.constant 2 : i32
    %get3A_740 = arith.index_cast %get3A_739 : i32 to index
    %get3A_741 = arith.constant 112 : index
    %get3A_742 = tpu.vector_load %arg8[%get3A_740, %get3A_741] {strides = array<i32>} : memref<6x128xf32, #tpu.memory_space<vmem>>, vector<1x16xf32>,
    %get3A_743 = vector.shape_cast %get3A_742 : vector<1x16xf32> to vector<16xf32>
    %gt3A_744 = arith.constant 5.000000e-01 : f32
    %gt3A_745 = vector.broadcast %gt3A_744 : f32 to vector<16xf32>
    %gt3A_746 = arith.cmpf ogt, %get3A_743, %gt3A_745 : vector<16xf32>
    %jit3A_747 = arith.constant 4 : i32
    %jit3A_748 = arith.constant 0 : i32
    %broadcast_in_dim3A_749 = vector.broadcast %jit3A_747 : i32 to vector<16xi32>
    %broadcast_in_dim3A_750 = vector.broadcast %jit3A_748 : i32 to vector<16xi32>
    %select_n3A_751 = arith.select %gt3A_746, %broadcast_in_dim3A_749, %broadcast_in_dim3A_750 : vector<16xi1>, vector<16xi32>
    %add3A_752 = arith.addi %add3A_738, %select_n3A_751 : vector<16xi32>
    %get3A_753 = arith.constant 3 : i32
    %get3A_754 = arith.index_cast %get3A_753 : i32 to index
    %get3A_755 = arith.constant 112 : index
    %get3A_756 = tpu.vector_load %arg8[%get3A_754, %get3A_755] {strides = array<i32>} : memref<6x128xf32, #tpu.memory_space<vmem>>, vector<1x16xf32>,
    %get3A_757 = vector.shape_cast %get3A_756 : vector<1x16xf32> to vector<16xf32>
    %gt3A_758 = arith.constant 5.000000e-01 : f32
    %gt3A_759 = vector.broadcast %gt3A_758 : f32 to vector<16xf32>
    %gt3A_760 = arith.cmpf ogt, %get3A_757, %gt3A_759 : vector<16xf32>
    %jit3A_761 = arith.constant 8 : i32
    %jit3A_762 = arith.constant 0 : i32
    %broadcast_in_dim3A_763 = vector.broadcast %jit3A_761 : i32 to vector<16xi32>
    %broadcast_in_dim3A_764 = vector.broadcast %jit3A_762 : i32 to vector<16xi32>
    %select_n3A_765 = arith.select %gt3A_760, %broadcast_in_dim3A_763, %broadcast_in_dim3A_764 : vector<16xi1>, vector<16xi32>
    %add3A_766 = arith.addi %add3A_752, %select_n3A_765 : vector<16xi32>
    %get3A_767 = arith.constant 4 : i32
    %get3A_768 = arith.index_cast %get3A_767 : i32 to index
    %get3A_769 = arith.constant 112 : index
    %get3A_770 = tpu.vector_load %arg8[%get3A_768, %get3A_769] {strides = array<i32>} : memref<6x128xf32, #tpu.memory_space<vmem>>, vector<1x16xf32>,
    %get3A_771 = vector.shape_cast %get3A_770 : vector<1x16xf32> to vector<16xf32>
    %gt3A_772 = arith.constant 5.000000e-01 : f32
    %gt3A_773 = vector.broadcast %gt3A_772 : f32 to vector<16xf32>
    %gt3A_774 = arith.cmpf ogt, %get3A_771, %gt3A_773 : vector<16xf32>
    %jit3A_775 = arith.constant 16 : i32
    %jit3A_776 = arith.constant 0 : i32
    %broadcast_in_dim3A_777 = vector.broadcast %jit3A_775 : i32 to vector<16xi32>
    %broadcast_in_dim3A_778 = vector.broadcast %jit3A_776 : i32 to vector<16xi32>
    %select_n3A_779 = arith.select %gt3A_774, %broadcast_in_dim3A_777, %broadcast_in_dim3A_778 : vector<16xi1>, vector<16xi32>
    %add3A_780 = arith.addi %add3A_766, %select_n3A_779 : vector<16xi32>
    %get3A_781 = arith.constant 5 : i32
    %get3A_782 = arith.index_cast %get3A_781 : i32 to index
    %get3A_783 = arith.constant 112 : index
    %get3A_784 = tpu.vector_load %arg8[%get3A_782, %get3A_783] {strides = array<i32>} : memref<6x128xf32, #tpu.memory_space<vmem>>, vector<1x16xf32>,
    %get3A_785 = vector.shape_cast %get3A_784 : vector<1x16xf32> to vector<16xf32>
    %gt3A_786 = arith.constant 5.000000e-01 : f32
    %gt3A_787 = vector.broadcast %gt3A_786 : f32 to vector<16xf32>
    %gt3A_788 = arith.cmpf ogt, %get3A_785, %gt3A_787 : vector<16xf32>
    %jit3A_789 = arith.constant 32 : i32
    %jit3A_790 = arith.constant 0 : i32
    %broadcast_in_dim3A_791 = vector.broadcast %jit3A_789 : i32 to vector<16xi32>
    %broadcast_in_dim3A_792 = vector.broadcast %jit3A_790 : i32 to vector<16xi32>
    %select_n3A_793 = arith.select %gt3A_788, %broadcast_in_dim3A_791, %broadcast_in_dim3A_792 : vector<16xi1>, vector<16xi32>
    %add3A_794 = arith.addi %add3A_780, %select_n3A_793 : vector<16xi32>
    %mul3A_795 = arith.constant 64 : i32
    %mul3A_796 = vector.broadcast %mul3A_795 : i32 to vector<16xi32>
    %mul3A_797 = arith.muli %get3A_708, %mul3A_796 : vector<16xi32>
    %add3A_798 = arith.addi %mul3A_797, %add3A_794 : vector<16xi32>
    %swap3A_799 = arith.constant 1 : i32
    %swap3A_800 = arith.index_cast %swap3A_799 : i32 to index
    %swap3A_801 = arith.constant 112 : index
    %swap3A_802 = tpu.vector_load %arg6[%swap3A_800, %swap3A_801] {strides = array<i32>} : memref<2x128xi32, #tpu.memory_space<vmem>>, vector<1x16xi32>,
    %swap3A_803 = vector.shape_cast %swap3A_802 : vector<1x16xi32> to vector<16xi32>
    %swap3A_804 = vector.shape_cast %add3A_798 : vector<16xi32> to vector<1x16xi32>
    tpu.vector_store %arg6[%swap3A_800, %swap3A_801], %swap3A_804 {strides = array<i32>} : memref<2x128xi32, #tpu.memory_space<vmem>>, vector<1x16xi32>,
    %dma_start3A = arith.constant 1 : i32
    %dma_start3A_805 = arith.constant 0 : i32
    %dma_start3A_806 = tpu.memref_slice %arg6[%dma_start3A, %dma_start3A_805] : memref<2x128xi32, #tpu.memory_space<vmem>> -> memref<1x128xi32, #tpu.memory_space<vmem>>
    %dma_start3A_807 = tpu.memref_squeeze %dma_start3A_806 : memref<1x128xi32, #tpu.memory_space<vmem>> -> memref<128xi32, #tpu.memory_space<vmem>>
    %dma_start3A_808 = arith.constant 0 : i32
    %dma_start3A_809 = arith.constant 0 : i32
    %dma_start3A_810 = tpu.memref_slice %arg4[%dma_start3A_808, %dma_start3A_809] : memref<4864x128xf32, #tpu.memory_space<hbm>> -> memref<4864x128xf32, #tpu.memory_space<hbm>>
    tpu.enqueue_indirect_dma source(%dma_start3A_810 : memref<4864x128xf32, #tpu.memory_space<hbm>>) target(%arg7 : memref<128x128xf32, #tpu.memory_space<vmem>>) offsets(%dma_start3A_807 : memref<128xi32, #tpu.memory_space<vmem>>) semaphore(%arg9 : memref<!tpu.dma_semaphore, #tpu.memory_space<semaphore_mem>>)
    %dma_wait3A = arith.constant 1 : i32
    %dma_wait3A_811 = arith.constant 0 : i32
    %dma_wait3A_812 = tpu.memref_slice %arg6[%dma_wait3A, %dma_wait3A_811] : memref<2x128xi32, #tpu.memory_space<vmem>> -> memref<1x128xi32, #tpu.memory_space<vmem>>
    %dma_wait3A_813 = tpu.memref_squeeze %dma_wait3A_812 : memref<1x128xi32, #tpu.memory_space<vmem>> -> memref<128xi32, #tpu.memory_space<vmem>>
    %dma_wait3A_814 = arith.constant 0 : i32
    %dma_wait3A_815 = arith.constant 0 : i32
    %dma_wait3A_816 = tpu.memref_slice %arg4[%dma_wait3A_814, %dma_wait3A_815] : memref<4864x128xf32, #tpu.memory_space<hbm>> -> memref<4864x128xf32, #tpu.memory_space<hbm>>
    tpu.wait_indirect_dma semaphore(%arg9 : memref<!tpu.dma_semaphore, #tpu.memory_space<semaphore_mem>>) src(%dma_wait3A_816 : memref<4864x128xf32, #tpu.memory_space<hbm>>) dst(%arg7 : memref<128x128xf32, #tpu.memory_space<vmem>>)
    "tpu.region"() ({
      %run_scoped3A_817 = tpu.sem_alloc : memref<!tpu.dma_semaphore, #tpu.memory_space<semaphore_mem>>
      %dma_start3A_818 = arith.constant 0 : i32
      %dma_start3A_819 = tpu.memref_slice %arg5[%mul3A_2, %dma_start3A_818] : memref<4096x128xf32, #tpu.memory_space<hbm>> -> memref<128x128xf32, #tpu.memory_space<hbm>>
      %dma_start3A_820 = arith.constant 0 : i32
      %dma_start3A_821 = tpu.memref_slice %arg5[%mul3A_2, %dma_start3A_820] : memref<4096x128xf32, #tpu.memory_space<hbm>> -> memref<128x128xf32, #tpu.memory_space<hbm>>
      tpu.enqueue_dma source(%arg7 : memref<128x128xf32, #tpu.memory_space<vmem>>) target(%dma_start3A_821 : memref<128x128xf32, #tpu.memory_space<hbm>>) target_semaphore(%run_scoped3A_817 : memref<!tpu.dma_semaphore, #tpu.memory_space<semaphore_mem>>)
      %dma_wait3A_822 = arith.constant 0 : i32
      %dma_wait3A_823 = tpu.memref_slice %arg5[%mul3A_2, %dma_wait3A_822] : memref<4096x128xf32, #tpu.memory_space<hbm>> -> memref<128x128xf32, #tpu.memory_space<hbm>>
      %dma_wait3A_824 = arith.constant 0 : i32
      %dma_wait3A_825 = tpu.memref_slice %arg5[%mul3A_2, %dma_wait3A_824] : memref<4096x128xf32, #tpu.memory_space<hbm>> -> memref<128x128xf32, #tpu.memory_space<hbm>>
      tpu.wait_dma2 semaphore(%run_scoped3A_817 : memref<!tpu.dma_semaphore, #tpu.memory_space<semaphore_mem>>) src(%arg7 : memref<128x128xf32, #tpu.memory_space<vmem>>) dst(%dma_wait3A_825 : memref<128x128xf32, #tpu.memory_space<hbm>>)
      tpu.yield
    }) : () -> ()
    return
  }
}

module attributes {stable_mosaic.version = 14 : i64} {
  func.func @_build_body(%arg0: memref<76x128xf32, #tpu.memory_space<vmem>>, %arg1: memref<6x128xf32, #tpu.memory_space<vmem>>, %arg2: memref<4864x128xf32, #tpu.memory_space<vmem>>) attributes {dimension_semantics = [], scalar_prefetch = 0 : i64, scratch_operands = 0 : i64, tpu.core_type = #tpu.core_type<tc>} {
    %iota3A = tpu.iota {dimensions = array<i32: 0>} : vector<64x6xi32>
    %iota3A_0 = tpu.iota {dimensions = array<i32: 1>} : vector<64x6xi32>
    %shift_right_arithmetic3A = arith.shrsi %iota3A, %iota3A_0 : vector<64x6xi32>
    %and3A = arith.constant 1 : i32
    %and3A_1 = vector.broadcast %and3A : i32 to vector<64x6xi32>
    %and3A_2 = arith.andi %shift_right_arithmetic3A, %and3A_1 : vector<64x6xi32>
    %convert_element_type3A = arith.sitofp %and3A_2 : vector<64x6xi32> to vector<64x6xf32>
    %get3A = arith.constant 0 : index
    %get3A_3 = arith.constant 0 : index
    %get3A_4 = vector.load %arg1[%get3A, %get3A_3] : memref<6x128xf32, #tpu.memory_space<vmem>>, vector<6x128xf32>
    %dot_general3A = arith.constant dense<0.000000e+00> : vector<64x128xf32>
    %dot_general3A_5 = tpu.matmul %convert_element_type3A, %get3A_4, %dot_general3A {dimension_numbers = #tpu.dot_dimension_numbers<[1], [0], [0], [1], [0, 0, 1, 1], [], []>, transpose_lhs_hint = false} : vector<64x6xf32>, vector<6x128xf32>, vector<64x128xf32> -> vector<64x128xf32>
    %get3A_6 = arith.constant 0 : index
    %get3A_7 = arith.constant 0 : index
    %get3A_8 = vector.load %arg0[%get3A_6, %get3A_7] : memref<76x128xf32, #tpu.memory_space<vmem>>, vector<76x128xf32>
    %broadcast_in_dim3A = vector.shape_cast %get3A_8 : vector<76x128xf32> to vector<76x1x128xf32>
    %broadcast_in_dim3A_9 = vector.shape_cast %dot_general3A_5 : vector<64x128xf32> to vector<1x64x128xf32>
    %add3A = vector.broadcast %broadcast_in_dim3A : vector<76x1x128xf32> to vector<76x64x128xf32>
    %add3A_10 = vector.broadcast %broadcast_in_dim3A_9 : vector<1x64x128xf32> to vector<76x64x128xf32>
    %add3A_11 = arith.addf %add3A, %add3A_10 : vector<76x64x128xf32>
    %reshape3A = vector.shape_cast %add3A_11 : vector<76x64x128xf32> to vector<4864x128xf32>
    %swap3A = arith.constant 0 : index
    %swap3A_12 = arith.constant 0 : index
    %swap3A_13 = vector.load %arg2[%swap3A, %swap3A_12] : memref<4864x128xf32, #tpu.memory_space<vmem>>, vector<4864x128xf32>
    tpu.vector_store %arg2[%swap3A, %swap3A_12], %reshape3A {strides = array<i32>} : memref<4864x128xf32, #tpu.memory_space<vmem>>, vector<4864x128xf32>,
    return
  }
}

module attributes {stable_mosaic.version = 14 : i64} {
  func.func @_tc_body(%arg0: i32, %arg1: memref<1xf32, #tpu.memory_space<smem>>, %arg2: memref<4096x6xf32, #tpu.memory_space<vmem>>, %arg3: memref<512x4096xf32, #tpu.memory_space<vmem>>) attributes {dimension_semantics = [#tpu.dimension_semantics<arbitrary>], iteration_bounds = array<i64: 8>, scalar_prefetch = 0 : i64, scratch_operands = 0 : i64, tpu.core_type = #tpu.core_type<tc>, window_params = [{transform_indices = @transform_0, window_bounds = array<i64: 1>}, {pipeline_mode = #tpu.pipeline_mode<synchronous>, transform_indices = @transform_1, window_bounds = array<i64: 4096, 6>}, {transform_indices = @transform_2, window_bounds = array<i64: 512, 4096>}]} {
    %mul3A = arith.constant 512 : i32
    %mul3A_0 = arith.muli %arg0, %mul3A : i32
    %get3A = arith.index_cast %mul3A_0 : i32 to index
    %get3A_1 = arith.constant 0 : index
    %get3A_2 = vector.load %arg2[%get3A, %get3A_1] : memref<4096x6xf32, #tpu.memory_space<vmem>>, vector<512x6xf32>
    %get3A_3 = arith.constant 0 : index
    %get3A_4 = arith.constant 0 : index
    %get3A_5 = vector.load %arg2[%get3A_3, %get3A_4] : memref<4096x6xf32, #tpu.memory_space<vmem>>, vector<4096x6xf32>
    %dot_general3A = arith.constant dense<0.000000e+00> : vector<512x4096xf32>
    %dot_general3A_6 = tpu.matmul %get3A_2, %get3A_5, %dot_general3A {dimension_numbers = #tpu.dot_dimension_numbers<[1], [1], [0], [0], [0, 0, 1, 0], [], []>, transpose_lhs_hint = false} : vector<512x6xf32>, vector<4096x6xf32>, vector<512x4096xf32> -> vector<512x4096xf32>
    %reduce_sum3A = arith.constant dense<0.000000e+00> : vector<512xf32>
    %reduce_sum3A_7 = vector.multi_reduction <add>, %get3A_2, %reduce_sum3A [1] : vector<512x6xf32> to vector<512xf32>
    %reduce_sum3A_8 = arith.constant dense<0.000000e+00> : vector<4096xf32>
    %reduce_sum3A_9 = vector.multi_reduction <add>, %get3A_5, %reduce_sum3A_8 [1] : vector<4096x6xf32> to vector<4096xf32>
    %get3A_10 = arith.constant 0 : index
    %get3A_11 = memref.load %arg1[%get3A_10] : memref<1xf32, #tpu.memory_space<smem>>
    %neg3A = arith.constant 0.000000e+00 : f32
    %neg3A_12 = arith.subf %neg3A, %get3A_11 : f32
    %broadcast_in_dim3A = vector.shape_cast %reduce_sum3A_7 : vector<512xf32> to vector<512x1xf32>
    %broadcast_in_dim3A_13 = vector.shape_cast %reduce_sum3A_9 : vector<4096xf32> to vector<1x4096xf32>
    %add3A = vector.broadcast %broadcast_in_dim3A : vector<512x1xf32> to vector<512x4096xf32>
    %add3A_14 = vector.broadcast %broadcast_in_dim3A_13 : vector<1x4096xf32> to vector<512x4096xf32>
    %add3A_15 = arith.addf %add3A, %add3A_14 : vector<512x4096xf32>
    %mul3A_16 = arith.constant 2.000000e+00 : f32
    %mul3A_17 = vector.broadcast %mul3A_16 : f32 to vector<512x4096xf32>
    %mul3A_18 = arith.mulf %mul3A_17, %dot_general3A_6 : vector<512x4096xf32>
    %sub3A = arith.subf %add3A_15, %mul3A_18 : vector<512x4096xf32>
    %mul3A_19 = vector.broadcast %neg3A_12 : f32 to vector<512x4096xf32>
    %mul3A_20 = arith.mulf %mul3A_19, %sub3A : vector<512x4096xf32>
    %swap3A = arith.constant 0 : index
    %swap3A_21 = arith.constant 0 : index
    %swap3A_22 = vector.load %arg3[%swap3A, %swap3A_21] : memref<512x4096xf32, #tpu.memory_space<vmem>>, vector<512x4096xf32>
    tpu.vector_store %arg3[%swap3A, %swap3A_21], %mul3A_20 {strides = array<i32>} : memref<512x4096xf32, #tpu.memory_space<vmem>>, vector<512x4096xf32>,
    return
  }
  func.func @transform_0(%arg0: i32) -> i32 {
    %c0_i32 = arith.constant 0 : i32
    %c0_i32_0 = arith.constant 0 : i32
    return %c0_i32 : i32
  }
  func.func @transform_1(%arg0: i32) -> (i32, i32) {
    %c0_i32 = arith.constant 0 : i32
    %c0_i32_0 = arith.constant 0 : i32
    %c0_i32_1 = arith.constant 0 : i32
    return %c0_i32, %c0_i32_0 : i32, i32
  }
  func.func @transform_2(%arg0: i32) -> (i32, i32) {
    %c0_i32 = arith.constant 0 : i32
    %c0_i32_0 = arith.constant 0 : i32
    return %arg0, %c0_i32 : i32, i32
  }
}

</mosaic_0001>

<sc_bundles>
// kernel: kernel.5.cloned.1.call-start
scs
__scs_entry_jumppad:
0x0: {  	(pc) =	sbr.rel $0x88, $3  }
0x1: {  	(tag) =	ssettag $0x0;
	lr =	simm.s32 $0x1  }
0x2: {  	[smem:$0x3F9C] =	sst lr;
	_ =	strace $0xD0000000  }
0x3: {  	_ = 	snop  }
0x4: {  	_ = 	snop  }
0x5: {  	_ = 	snop  }
0x6: {  	_ = 	snop  }
0x7: {  	_ = 	snop  }
__scs_overlays_trampoline_lowered:
0x8: {  	[smem:$0x3FAB] =	sst s0  }
0x9: {  	[smem:$0x3FAC] =	sst s1  }
0xa: {  	[smem:$0x3FAD] =	sst s2  }
0xb: {  	[smem:$0x3FAE] =	sst s3  }
0xc: {  	[smem:$0x3FAF] =	sst s4  }
0xd: {  	[smem:$0x3FB0] =	sst s5  }
0xe: {  	[smem:$0x3FB1] =	sst s6  }
0xf: {  	[smem:$0x3FB2] =	sst s7  }
0x10: {  	[smem:$0x3FB3] =	sst s8  }
0x11: {  	[smem:$0x3FB4] =	sst s9;
	s0 =	simm.s32 @!p0 $0x0  }
0x12: {  	s1 =	sld [smem:$0x3F9A];
	s0 =	simm.s32 @p0 $0x1  }
0x13: {  	[smem:$0x3FB5] =	sst s0;
	s0 =	simm.s32 @!p1 $0x0  }
0x14: {  	s2 =	sld [smem:$0x3F99];
	s0 =	simm.s32 @p1 $0x1  }
0x15: {  	[smem:$0x3FB6] =	sst s0;
	s0 =	simm.s32 @!p2 $0x0  }
0x16: {  	s3 =	sld [smem:$0x3FDB];
	s0 =	simm.s32 @p2 $0x1  }
0x17: {  	s4 =	simm.s32 $0x1BF5;
	[smem:$0x3FB8] =	sst s0  }
0x18: {  	s0 =	sld [smem:$0x3F9B];
	_ =	swait.ge [sflag:s4], $0x0  }
0x19: {  	s7 =	sld [smem:$0x3F9C]  }
0x1a: {  	s8 =	sadd.s32 $0xFFFFE003, lr  }
0x1b: {  	s9 =	sadd.s32 $0xFFFFFEF7, lr;
	s5 =	simm.s32 $0xFFFFFFFF;
	p2 =	slt.u32 s8, $0xFFFFF086  }
0x1c: {  	p1 =	slt.u32 s9, $0xF7A;
	s5 =	simm.s32 @!p2 $0x0  }
0x1d: {  	s5 =	simm.s32 @p1 $0x1;
	p0 =	seq.s32 s7, s2  }
0x1e: {  	s7 =	smul.u32 @!p0 $0xF7A, s2;
	p2 =	seq.s32 @!p0 s5, $0x0  }
0x1f: {  	s9 =	smul.u32 $0xF7A, s1;
	s8 =	simm.s32 @!p0 $0x1BF5;
	p2 =	por !p2, p0  }
0x20: {  	[sflag:s8] =	ssyncset.s32 @!p0 $0xFFFFF086;
	s6 =	sadd.s32 @!p0 s3, s7;
	s7 =	simm.s32 @!p0 $0x108  }
0x21: {  	s3 =	sadd.s32 s3, s9;
	s6 =	sadd.s32 @!p0 $0x88, s6;
	s7 =	simm.s32 @p2 $0x1082  }
0x22: {  	[simem:s7], [sflag:s8] =	dma.local @!p0 [hbm:s6], $0xF7A  }
0x23: {  	s9 =	sor.u32 $0xD0000000, s2;
	s6 =	simm.s32 $0x108;
	_ =	swait.ge @!p0 [sflag:s8], $0x0  }
0x24: {  	s3 =	sadd.s32 $0x88, s3;
	s6 =	simm.s32 @!p1 $0x1082;
	[sflag:s4] =	ssyncset.s32 $0xFFFFF086  }
0x25: {  	[simem:s6], [sflag:s4] =	dma.local [hbm:s3], $0xF7A  }
0x26: {  	[smem:$0x3F9C] =	sst s1;
	(tag) =	ssettag s2;
	_ =	strace s9  }
0x27: {  	s1 =	sld [smem:$0x3FAC]  }
0x28: {  	s2 =	sld [smem:$0x3FAD]  }
0x29: {  	s4 =	sld [smem:$0x3FAF]  }
0x2a: {  	p0 =	seq.s32 s5, $0x0;
	s5 =	sld [smem:$0x3FB0]  }
0x2b: {  	s6 =	sld [smem:$0x3FB1]  }
0x2c: {  	s7 =	sld [smem:$0x3FB2]  }
0x2d: {  	s3 =	simm.s32 $0x108;
	s8 =	sld [smem:$0x3FB3]  }
0x2e: {  	s3 =	simm.s32 @!p0 $0x1082;
	s9 =	sld [smem:$0x3FB4]  }
0x2f: {  	lr =	sadd.s32 s0, s3;
	s0 =	sld [smem:$0x3FAB]  }
0x30: {  	s3 =	sld [smem:$0x3FAE]  }
0x31: {  	[smem:$0x3FB7] =	sst s10  }
0x32: {  	s10 =	sld [smem:$0x3FB5];
	_ =	sdelay $0x3  }
0x33: {  	p0 =	seq.s32 s10, $0x1;
	s10 =	sld [smem:$0x3FB7];
	_ =	sdelay $0x3  }
0x34: {  	[smem:$0x3FB7] =	sst s10  }
0x35: {  	s10 =	sld [smem:$0x3FB6];
	_ =	sdelay $0x3  }
0x36: {  	p1 =	seq.s32 s10, $0x1;
	s10 =	sld [smem:$0x3FB7];
	_ =	sdelay $0x3  }
0x37: {  	[smem:$0x3FB7] =	sst s10  }
0x38: {  	s10 =	sld [smem:$0x3FB8]  }
0x39: {  	_ = 	snop;
	(pc) =	sbr.ind lr, $3  }
0x3a: {  	_ = 	snop  }
0x3b: {  	_ = 	snop  }
0x3c: {  	p2 =	seq.s32 s10, $0x1;
	s10 =	sld [smem:$0x3FB7]  }
0x3d: {  	_ =	shalt  }
0x3e: {  	_ =	shalt  }
0x3f: {  	_ =	shalt  }
0x40: {  	_ =	shalt  }
0x41: {  	_ =	shalt  }
0x42: {  	_ =	shalt  }
0x43: {  	_ =	shalt  }
0x44: {  	_ =	shalt  }
0x45: {  	_ =	shalt  }
0x46: {  	_ =	shalt  }
0x47: {  	_ =	shalt  }
0x48: {  	_ =	shalt  }
0x49: {  	_ =	shalt  }
0x4a: {  	_ =	shalt  }
0x4b: {  	_ =	shalt  }
0x4c: {  	_ =	shalt  }
0x4d: {  	_ =	shalt  }
0x4e: {  	_ =	shalt  }
0x4f: {  	_ =	shalt  }
0x50: {  	_ =	shalt  }
0x51: {  	_ =	shalt  }
0x52: {  	_ =	shalt  }
0x53: {  	_ =	shalt  }
0x54: {  	_ =	shalt  }
0x55: {  	_ =	shalt  }
0x56: {  	_ =	shalt  }
0x57: {  	_ =	shalt  }
0x58: {  	_ =	shalt  }
0x59: {  	_ =	shalt  }
0x5a: {  	_ =	shalt  }
0x5b: {  	_ =	shalt  }
0x5c: {  	_ =	shalt  }
0x5d: {  	_ =	shalt  }
0x5e: {  	_ =	shalt  }
0x5f: {  	_ =	shalt  }
0x60: {  	_ =	shalt  }
0x61: {  	_ =	shalt  }
0x62: {  	_ =	shalt  }
0x63: {  	_ =	shalt  }
0x64: {  	_ =	shalt  }
0x65: {  	_ =	shalt  }
0x66: {  	_ =	shalt  }
0x67: {  	_ =	shalt  }
0x68: {  	_ =	shalt  }
0x69: {  	_ =	shalt  }
0x6a: {  	_ =	shalt  }
0x6b: {  	_ =	shalt  }
0x6c: {  	_ =	shalt  }
0x6d: {  	_ =	shalt  }
0x6e: {  	_ =	shalt  }
0x6f: {  	_ =	shalt  }
0x70: {  	_ =	shalt  }
0x71: {  	_ =	shalt  }
0x72: {  	_ =	shalt  }
0x73: {  	_ =	shalt  }
0x74: {  	_ =	shalt  }
0x75: {  	_ =	shalt  }
0x76: {  	_ =	shalt  }
0x77: {  	_ =	shalt  }
0x78: {  	_ =	shalt  }
0x79: {  	_ =	shalt  }
0x7a: {  	_ =	shalt  }
0x7b: {  	_ =	shalt  }
0x7c: {  	_ =	shalt  }
0x7d: {  	_ =	shalt  }
0x7e: {  	_ =	shalt  }
0x7f: {  	_ =	shalt  }
0x80: {  	_ =	shalt  }
0x81: {  	_ =	shalt  }
0x82: {  	_ =	shalt  }
0x83: {  	_ =	shalt  }
0x84: {  	_ =	shalt  }
0x85: {  	_ =	shalt  }
0x86: {  	_ =	shalt  }
0x87: {  	_ =	shalt  }
.Lfunc_end0:
.L_simem_size_0:
called_computation_lowered:
.L_overlay_start_0:
0x88: {  	s2 =	sld [smem:$0x3FD9]  }
0x89: {  	s3 =	sld [smem:$0x3FFE];
	_ =	sdelay $0x1  }
0x8a: {  	s1 =	srdreg.scid  }
0x8b: {  	s0 =	sand.u32 $0x1, s1  }
0x8c: {  	s14 =	sshll.u32 s0, $0xA;
	s2 =	sadd.s32 s3, s2  }
0x8d: {  	s2 =	sadd.s32 s2, s14  }
0x8e: {  	[smem:$0x3FC3] =	sst s2  }
0x8f: {  	_ = 	snop  }
0x90: {  	s2 =	sld [smem:$0x3FD0];
	_ =	sdelay $0x1  }
0x91: {  	s15 =	sld [smem:$0x3FC9]  }
0x92: {  	s5 =	simm.s32 $0xA;
	s6 =	simm.s32 $0x10;
	s4 =	sld [smem:$0x3FC8]  }
0x93: {  	[smem:s6], [sflag:s5] =	dma.local [hbm:s2], $0x1  }
0x94: {  	_ =	swait.eq [sflag:s5], $0x1  }
0x95: {  	[sflag:s5] =	ssyncset.done $0x0  }
0x96: {  	[sflag:s5] =	ssyncadd.s32 $0xFFFFFFFF  }
0x97: {  	s16 =	sld [smem:$0x10];
	(tm) =	ssettm $0x1  }
0x98: {  	s17 =	sld [smem:$0x3FFB];
	_ =	sdelay $0x3  }
0x99: {  	_ =	strace s17  }
0x9a: {  	s5 =	sld [smem:$0x3FFC];
	_ =	sdelay $0x3  }
0x9b: {  	_ =	strace s5  }
0x9c: {  	s5 =	sld [smem:$0x3FFD];
	_ =	sdelay $0x3  }
0x9d: {  	_ =	strace s5  }
0x9e: {  	_ =	strace $0x8FFFFFFF  }
0x9f: {  	s18 =	sld [smem:$0x3FDB];
	_ =	sdelay $0x1  }
0xa0: {  	s19 =	simm.s32 $_scs_section_size  }
0xa1: {  	s7 =	simm.s32 $_size__tile_overlayer_lowered;
	s8 =	simm.s32 $_tile_overlayer_lowered  }
0xa2: {  	s22 =	simm.s32 $0x1BFF;
	s21 =	sshll.u32 s8, $0x1;
	s5 =	sadd.s32 s19, s18  }
0xa3: {  	s9 =	simm.s32 $0x0;
	s20 =	sshll.u32 s7, $0x1;
	s7 =	sadd.s32 s21, s5  }
0xa4: {  	[timem:s9], [sflag:s22] =	dma.local [hbm:s7], s20  }
0xa5: {  	_ =	swait.ge [sflag:s22], s20  }
0xa6: {  	s6 =	ssub.s32 $0x0, s20;
	[sflag:s22] =	ssyncset.done $0x0  }
0xa7: {  	[sflag:s22] =	ssyncadd.s32 s6;
	_ =	sdelay $0x1  }
0xa8: {  	s23 =	simm.s32 $0x1B8B  }
0xa9: {  	_ =	swait.ge [sflag:s23], $0x1  }
0xaa: {  	[sflag:s23] =	ssyncset.done $0x0  }
0xab: {  	s25 =	simm.s32 $0x1B8E;
	s24 =	sld [smem:$0x3FFE];
	[sflag:s23] =	ssyncadd.s32 $0xFFFFFFFF  }
0xac: {  	s26 =	simm.s32 $execute0_lowered;
	[smem:$0x3FD2] =	sst s25  }
0xad: {  	s7 =	sshll.u32 s26, $0x1;
	_ =	strace $0x80000046;
	[dreg:$0x1] =	wrdreg $0xFFFFFFFF  }
0xae: {  	s28 =	simm.s32 $_size_execute0_lowered;
	s5 =	sadd.s32 s5, s7;
	[dreg:$0x0] =	wrdreg $0x0  }
0xaf: {  	s7 =	sshll.u32 s28, $0x1;
	[dreg:$0x2] =	wrdreg s5  }
0xb0: {  	[dreg:$0x3] =	wrdreg s7  }
0xb1: {  	[dreg:$0x4] =	wrdreg $0xC0  }
0xb2: {  	_ =	task [dreg:s9], $0x5FFFF  }
0xb3: {  	[dreg:$0x1] =	wrdreg $0xFFFFFFFF  }
0xb4: {  	[dreg:$0x0] =	wrdreg $0x60  }
0xb5: {  	[dreg:$0x2] =	wrdreg s15  }
0xb6: {  	[dreg:$0x3] =	wrdreg s4  }
0xb7: {  	[dreg:$0x4] =	wrdreg s24  }
0xb8: {  	[dreg:$0x5] =	wrdreg s16  }
0xb9: {  	[dreg:$0x6] =	wrdreg $0x9  }
0xba: {  	_ =	task.clear_ibuf [dreg:s9], $0x7FFFF;
	_ =	strace $0x90000046  }
0xbb: {  	s29 =	simm.s32 $0x9;
	_ =	strace $0x80000048  }
0xbc: {  	_ =	swait.ge [sflag:s29], $0x1  }
0xbd: {  	[sflag:s29] =	ssyncadd.s32 $0xFFFFFFFF  }
0xbe: {  	_ =	strace $0x90000048  }
0xbf: {  	_ =	sfence  }
0xc0: {  	s30 =	sld [smem:$0x0];
	_ =	sdelay $0x2  }
0xc1: {  	s31 =	sshll.u32 s1, $0xD;
	s1 =	sshrl.u32 s1, $0x2  }
0xc2: {  	s3 =	sand.u32 $0x4000, s31;
	s1 =	sadd.s32 s1, s30  }
0xc3: {  	s0 =	sor.u32 s3, s0;
	s1 =	sshll.u32 s1, $0x11  }
0xc4: {  	s0 =	sor.u32 s1, s0  }
0xc5: {  	s0 =	sadd.s32 $0x8F2B, s0  }
0xc6: {  	[sflag:s0] =	ssyncadd.remote.s32 $0x1  }
0xc7: {  	_ =	sfence.sel $0xFFFF  }
0xc8: {  	[dreg:$0x0] =	wrdreg $0xFFFFFFFF;
	(pc) =	sbr.abs _section_cstart, $3  }
0xc9: {  	[dreg:$0x1] =	wrdreg $0xFFFFFFFF  }
0xca: {  	_ =	task.clear_ibuf [dreg:s9], $0x2FFFF;
	_ =	strace $0x9FFFFFFF  }
0xcb: {  	(tm) =	ssettm $0x7FFFFFFF  }
tec
execute0_lowered:
.L_overlay_start_1:
0x0: {  	(tag) =	ssettag $0x1  }
0x1: {  	s3 =	rddreg [dreg:$0x0]  }
0x2: {  	s4 =	rddreg [dreg:$0x1];
	s1 =	srdreg.scid  }
0x3: {  	s5 =	rddreg [dreg:$0x2];
	s0 =	stileid.u32;
	s6 =	sand.u32 $0x1, s1  }
0x4: {  	s7 =	rddreg [dreg:$0x3];
	s8 =	sshll.u32 s0, $0x8;
	s9 =	sshll.u32 s6, $0x7  }
0x5: {  	s2 =	simm.s32 $0x0;
	s1 =	rddreg [dreg:$0x4];
	s8 =	sor.u32 s9, s8  }
0x6: {  	[smem:$0x7FF] =	sst s2;
	s9 =	sshrl.u32 s8, $0x3  }
0x7: {  	_ =	strace $0x80000047;
	s9 =	sadd.s32 s3, s9;
	s3 =	simm.s32 $0x2  }
0x8: {  	[tilespmem:s2], [sflag:$0x2] =	stream.linear.gather [hbm4b:s9+s2], $0x80, $0x38;
	[tilespmem:$0x4500] =	vst v63  }
0x9: {  	_ =	swait.ge [sflag:s3], $0x80  }
0xa: {  	s11 =	simm.s32 $0x400;
	s12 =	simm.s32 $0x8000;
	[sflag:s3] =	ssyncset.done $0x0  }
0xb: {  	s13 =	simm.s32 $0x4100;
	s10 =	sadd.s32 s4, s8;
	[sflag:s3] =	ssyncadd.s32 $0xFFFFFF80  }
0xc: {  	[tilespmem:s13], [sflag:$0x2] =	stream.strided.gather [hbm4b:s10+s11], $0x0, s12, s11, $0x38;
	[tilespmem:$0x4500] =	vst v63  }
0xd: {  	_ = 	snop  }
0xe: {  	[tilespmem:s13], [sflag:$0x2] =	stream.linear.gather [hbm4b:s10+s2], $0x300, $0x38;
	[tilespmem:$0x4500] =	vst v63  }
0xf: {  	_ =	swait.ge [sflag:s3], $0x300  }
0x10: {  	[sflag:s3] =	ssyncset.done $0x0  }
0x11: {  	[sflag:s3] =	ssyncadd.s32 $0xFFFFFD00  }
0x12: {  	v5 =	vld [tilespmem:$0x42E0]  }
0x13: {  	v9 =	vld [tilespmem:$0x20]  }
0x14: {  	v1 =	vld [tilespmem:$0x4230]  }
0x15: {  	v6 =	vld [tilespmem:$0x41B0]  }
0x16: {  	v12 =	vld [tilespmem:$0x4370]  }
0x17: {  	v11 =	vld [tilespmem:$0x4120]  }
0x18: {  	v2 =	vld [tilespmem:$0x30]  }
0x19: {  	v10 =	vld [tilespmem:$0x4280]  }
0x1a: {  	v3 =	vld [tilespmem:$0x4190]  }
0x1b: {  	v13 =	vld [tilespmem:$0x4270]  }
0x1c: {  	v19 =	vld [tilespmem:$0x4260]  }
0x1d: {  	s30 =	ssub.s32 $0x2, s6;
	v4 =	vld [tilespmem:$0x41E0]  }
0x1e: {  	s6 =	sshrl.u32 s30, $0x1;
	v7 =	vld [tilespmem:$0x41F0]  }
0x1f: {  	s6 =	ssub.s32 s30, s6;
	v15 =	vld [tilespmem:$0x42F0]  }
0x20: {  	s14 =	smax.u32 s6, $0x1;
	v20 =	vld [tilespmem:$0x10]  }
0x21: {  	p0 =	sne.s32 s14, $0x1;
	v16 =	vld [tilespmem:$0x4200]  }
.Ltmp0:
0x22: {  	v0 =	vimm.s32 $0x0;
	v18 =	vld [tilespmem:$0x4180];
	vm0 =	vgt.f32 v1, $5.000000000e-01;
	vm1 =	vgt.f32 v4, $5.000000000e-01;
	(pc) =	sbr.rel @!p0 .LBB2_2-.Ltmp0, $4  }
0x23: {  	v14 =	vld [tilespmem:$0x4110];
	v8 =	vshll.u32 v2, $0x6;
	vm2 =	vgt.f32 v13, $5.000000000e-01;
	v1 =	vsel vm1, $0x2, v0  }
0x24: {  	s31 =	sshll.u32 s8, $0x4;
	v17 =	vld [tilespmem:$0x70];
	vm1 =	vgt.f32 v7, $5.000000000e-01;
	v7 =	vsel vm0, $0x4, v0;
	vm0 =	vgt.f32 v19, $5.000000000e-01  }
0x25: {  	s4 =	sadd.s32 $0xC00, s5;
	s8 =	simm.s32 $0x1;
	s5 =	sadd.s32 s7, s31;
	v13 =	vld [tilespmem:$0x4100];
	v4 =	vsel vm1, $0x2, v0;
	vm1 =	vgt.f32 v3, $5.000000000e-01;
	v3 =	vshll.u32 v20, $0x6  }
0x26: {  	s6 =	simm.s32 $0x80;
	s7 =	simm.s32 $0x100;
	s14 =	sadd.s32 $0xFFFFFFFF, s14;
	v19 =	vld [tilespmem:$0x4170];
	v2 =	vsel vm1, $0x2, v0;
	vm1 =	vgt.f32 v6, $5.000000000e-01;
	v6 =	vsel vm2, $0x4, v0  }
.LBB2_1:
0x27: {  	p0 =	sne.s32 s14, $0x1;
	s14 =	sadd.s32 $0xFFFFFFFF, s14;
	vm2 =	vgt.f32 v18, $5.000000000e-01;
	v18 =	vsel vm1, $0x2, v0;
	v20 =	vld [tilespmem:$0x4160];
	vm1 =	vgt.f32 v15, $5.000000000e-01  }
0x28: {  	vm3 =	vgt.f32 v12, $5.000000000e-01;
	v15 =	vsel vm2, $0x2, v0;
	vm2 =	vgt.f32 v16, $5.000000000e-01;
	v16 =	vld [tilespmem:$0x60]  }
0x29: {  	v21 =	vsel vm0, $0x4, v0;
	v12 =	vsel vm2, $0x4, v0;
	vm2 =	vgt.f32 v11, $5.000000000e-01;
	v11 =	vld [tilespmem:$0x4130]  }
0x2a: {  	vm0 =	vgt.f32 v14, $5.000000000e-01;
	v14 =	vsel vm1, $0x8, v0;
	v17 =	vshll.u32 v17, $0x6;
	v22 =	vld [tilespmem:$0x0]  }
0x2b: {  	v9 =	vshll.u32 v9, $0x6;
	vm1 =	vgt.f32 v10, $5.000000000e-01;
	v10 =	vld [tilespmem:$0x41A0];
	vm4 =	vgt.f32 v19, $5.000000000e-01  }
0x2c: {  	vm5 =	vgt.f32 v5, $5.000000000e-01;
	v19 =	vsel vm2, $0x1, v0;
	v23 =	vld [tilespmem:$0x42B0];
	vm2 =	vgt.f32 v20, $5.000000000e-01  }
0x2d: {  	vm6 =	vgt.f32 v13, $5.000000000e-01;
	v5 =	vld [tilespmem:$0x4220];
	v13 =	vsel vm2, $0x1, v0;
	v16 =	vshll.u32 v16, $0x6  }
0x2e: {  	v24 =	vsel vm5, $0x8, v0;
	v26 =	vsel vm3, $0x10, v0;
	v25 =	vsel vm4, $0x1, v0;
	v20 =	vld [tilespmem:$0x42A0]  }
0x2f: {  	vm2 =	vgt.f32 v11, $5.000000000e-01;
	v11 =	vor.u32 v25, v17;
	v27 =	vld [tilespmem:$0x4300];
	v22 =	vshll.u32 v22, $0x6  }
0x30: {  	v17 =	vsel vm6, $0x1, v0;
	v25 =	vld [tilespmem:$0x4210];
	vm3 =	vgt.f32 v10, $5.000000000e-01;
	v10 =	vsel vm2, $0x1, v0  }
0x31: {  	v9 =	vor.u32 v19, v9;
	v28 =	vld [tilespmem:$0x4290];
	vm4 =	vgt.f32 v23, $5.000000000e-01;
	v8 =	vor.u32 v10, v8  }
0x32: {  	v10 =	vsel vm1, $0x8, v0;
	v19 =	vld [tilespmem:$0x4310];
	vm5 =	vgt.f32 v5, $5.000000000e-01;
	v5 =	vor.u32 v18, v8  }
0x33: {  	v8 =	vsel vm3, $0x2, v0;
	vm3 =	vgt.f32 v20, $5.000000000e-01;
	v18 =	vld [tilespmem:$0x4330];
	v5 =	vor.u32 v7, v5  }
0x34: {  	v7 =	vor.u32 v17, v22;
	v17 =	vsel vm4, $0x8, v0;
	vm2 =	vgt.f32 v27, $5.000000000e-01;
	v20 =	vld [tilespmem:$0x43F0]  }
0x35: {  	v8 =	vor.u32 v8, v9;
	v7 =	vor.u32 v15, v7;
	vm4 =	vgt.f32 v25, $5.000000000e-01;
	v9 =	vld [tilespmem:$0x43B0]  }
0x36: {  	v4 =	vor.u32 v4, v11;
	v15 =	vsel vm5, $0x4, v0;
	vm1 =	vgt.f32 v28, $5.000000000e-01;
	v22 =	vld [tilespmem:$0x4320]  }
0x37: {  	v4 =	vor.u32 v6, v4;
	v7 =	vor.u32 v12, v7;
	v8 =	vor.u32 v15, v8;
	v11 =	vld [tilespmem:$0x43A0]  }
0x38: {  	v5 =	vor.u32 v17, v5;
	v6 =	vsel vm4, $0x4, v0;
	vm4 =	vgt.f32 v18, $5.000000000e-01;
	v12 =	vld [tilespmem:$0x4140]  }
0x39: {  	v13 =	vor.u32 v13, v16;
	v4 =	vor.u32 v14, v4;
	v15 =	vld [tilespmem:$0x40];
	vm5 =	vgt.f32 v20, $5.000000000e-01  }
0x3a: {  	v7 =	vor.u32 v10, v7;
	v10 =	vsel vm3, $0x8, v0;
	vm3 =	vgt.f32 v9, $5.000000000e-01;
	v9 =	vld [tilespmem:$0x4360]  }
0x3b: {  	v4 =	vor.u32 v26, v4;
	v8 =	vor.u32 v10, v8;
	v14 =	vld [tilespmem:$0x4380];
	vm6 =	vgt.f32 v22, $5.000000000e-01  }
0x3c: {  	v10 =	vsel vm0, $0x1, v0;
	v16 =	vsel vm4, $0x10, v0;
	v18 =	vsel vm5, $0x20, v0;
	v17 =	vld [tilespmem:$0x41C0]  }
0x3d: {  	v20 =	vsel vm2, $0x10, v0;
	vm2 =	vgt.f32 v11, $5.000000000e-01;
	v11 =	vsel vm3, $0x20, v0;
	v22 =	vld [tilespmem:$0x4150]  }
0x3e: {  	v23 =	vsel vm6, $0x10, v0;
	vm0 =	vgt.f32 v12, $5.000000000e-01;
	v12 =	vshll.u32 v15, $0x6;
	v15 =	vld [tilespmem:$0x43E0]  }
0x3f: {  	v3 =	vor.u32 v10, v3;
	vm5 =	vgt.f32 v19, $5.000000000e-01;
	v19 =	vld [tilespmem:$0x4390];
	vm6 =	vgt.f32 v9, $5.000000000e-01  }
0x40: {  	v1 =	vor.u32 v1, v13;
	v7 =	vor.u32 v20, v7;
	vm7 =	vgt.f32 v14, $5.000000000e-01;
	v9 =	vld [tilespmem:$0x50]  }
0x41: {  	v1 =	vor.u32 v21, v1;
	v2 =	vor.u32 v2, v3;
	vm3 =	vgt.f32 v17, $5.000000000e-01;
	v3 =	vld [tilespmem:$0x41D0]  }
0x42: {  	v1 =	vor.u32 v24, v1;
	v13 =	vsel vm6, $0x10, v0;
	vm4 =	vgt.f32 v22, $5.000000000e-01;
	v10 =	vld [tilespmem:$0x4250]  }
0x43: {  	v2 =	vor.u32 v6, v2;
	v14 =	vsel vm7, $0x20, v0;
	v6 =	vld [tilespmem:$0x4240];
	vm6 =	vgt.f32 v15, $5.000000000e-01  }
0x44: {  	v8 =	vor.u32 v23, v8;
	v7 =	vor.u32 v14, v7;
	v14 =	vsel vm1, $0x8, v0;
	v15 =	vld [tilespmem:$0x42C0]  }
0x45: {  	v1 =	vor.u32 v13, v1;
	vm1 =	vgt.f32 v19, $5.000000000e-01;
	[tilespmem:$0x80] =	vst v7;
	v7 =	vld [tilespmem:$0x4340];
	v9 =	vshll.u32 v9, $0x6  }
0x46: {  	v4 =	vor.u32 v18, v4;
	v13 =	vsel vm5, $0x10, v0;
	v17 =	vsel vm2, $0x20, v0;
	v19 =	vld [tilespmem:$0x42D0]  }
0x47: {  	v2 =	vor.u32 v14, v2;
	v14 =	vsel vm6, $0x20, v0;
	vm2 =	vgt.f32 v10, $5.000000000e-01;
	v10 =	vld [tilespmem:$0x4350];
	[tilespmem:$0xF0] =	vst v4  }
0x48: {  	vm5 =	vgt.f32 v3, $5.000000000e-01;
	v4 =	vsel vm0, $0x1, v0;
	vm0 =	vgt.f32 v6, $5.000000000e-01;
	v3 =	vld [tilespmem:$0x43D0]  }
0x49: {  	v18 =	vsel vm4, $0x1, v0;
	v2 =	vor.u32 v13, v2;
	v6 =	vsel vm3, $0x2, v0;
	v13 =	vld [tilespmem:$0x43C0]  }
0x4a: {  	v8 =	vor.u32 v17, v8;
	v4 =	vor.u32 v4, v12;
	v12 =	vsel vm5, $0x2, v0  }
0x4b: {  	v4 =	vor.u32 v6, v4;
	vm3 =	vgt.f32 v7, $5.000000000e-01;
	[tilespmem:$0xA0] =	vst v8;
	vm4 =	vgt.f32 v19, $5.000000000e-01  }
0x4c: {  	v6 =	vsel vm1, $0x20, v0;
	v7 =	vsel vm0, $0x4, v0;
	vm0 =	vgt.f32 v10, $5.000000000e-01  }
0x4d: {  	v8 =	vsel vm2, $0x4, v0;
	vm1 =	vgt.f32 v3, $5.000000000e-01;
	v3 =	vor.u32 v18, v9  }
0x4e: {  	v1 =	vor.u32 v14, v1;
	vm2 =	vgt.f32 v13, $5.000000000e-01;
	v3 =	vor.u32 v12, v3  }
0x4f: {  	v4 =	vor.u32 v7, v4;
	v9 =	vsel vm2, $0x20, v0;
	v3 =	vor.u32 v8, v3;
	[tilespmem:$0xE0] =	vst v1  }
0x50: {  	v7 =	vsel vm1, $0x20, v0;
	v1 =	vor.u32 v16, v5;
	v5 =	vsel vm4, $0x8, v0  }
0x51: {  	vm1 =	vgt.f32 v15, $5.000000000e-01;
	v8 =	vsel vm0, $0x10, v0;
	v1 =	vor.u32 v11, v1  }
0x52: {  	v10 =	vsel vm3, $0x10, v0;
	v3 =	vor.u32 v5, v3;
	[tilespmem:$0xB0] =	vst v1;
	v1 =	vsel vm1, $0x8, v0  }
0x53: {  	v2 =	vor.u32 v6, v2;
	v3 =	vor.u32 v8, v3;
	v1 =	vor.u32 v1, v4  }
0x54: {  	[tilespmem:$0x90] =	vst v2;
	v1 =	vor.u32 v10, v1;
	v2 =	vor.u32 v7, v3  }
0x55: {  	v1 =	vor.u32 v9, v1;
	[tilespmem:$0xD0] =	vst v2  }
0x56: {  	[tilespmem:$0xC0] =	vst v1  }
0x57: {  	[tilespmem:s7], [sflag:$0x1] =	stream.indirect.gather [hbm4b:s4+s6], $0x80, s6, s6, $0xb8;
	[tilespmem:$0x4500] =	vst v63  }
0x58: {  	_ =	swait.ge [sflag:s8], $0x4000  }
0x59: {  	[sflag:s8] =	ssyncset.done $0x0  }
0x5a: {  	[sflag:s8] =	ssyncadd.s32 $0xFFFFC000  }
0x5b: {  	[hbm4b:s5+s2] =	stream.linear.scatter [tilespmem:s7], [sflag:$0x2], $0x4000, $0x38;
	[tilespmem:$0x4500] =	vst v63  }
0x5c: {  	_ =	swait.ge [sflag:s3], $0x4000  }
0x5d: {  	[sflag:s3] =	ssyncset.done $0x0  }
0x5e: {  	[sflag:s3] =	ssyncadd.s32 $0xFFFFC000  }
0x5f: {  	[tilespmem:s2], [sflag:$0x2] =	stream.linear.gather [hbm4b:s9+s2], $0x80, $0x38;
	[tilespmem:$0x4500] =	vst v63  }
0x60: {  	_ =	swait.ge [sflag:s3], $0x80  }
0x61: {  	[sflag:s3] =	ssyncset.done $0x0  }
0x62: {  	[sflag:s3] =	ssyncadd.s32 $0xFFFFFF80  }
0x63: {  	[tilespmem:s13], [sflag:$0x2] =	stream.strided.gather [hbm4b:s10+s11], $0x0, s12, s11, $0x38;
	[tilespmem:$0x4500] =	vst v63  }
0x64: {  	_ = 	snop  }
0x65: {  	[tilespmem:s13], [sflag:$0x2] =	stream.linear.gather [hbm4b:s10+s2], $0x300, $0x38;
	[tilespmem:$0x4500] =	vst v63  }
0x66: {  	_ =	swait.ge [sflag:s3], $0x300  }
0x67: {  	[sflag:s3] =	ssyncset.done $0x0  }
0x68: {  	[sflag:s3] =	ssyncadd.s32 $0xFFFFFD00  }
0x69: {  	v5 =	vld [tilespmem:$0x42E0]  }
0x6a: {  	v9 =	vld [tilespmem:$0x20]  }
0x6b: {  	v1 =	vld [tilespmem:$0x4230]  }
0x6c: {  	v6 =	vld [tilespmem:$0x41B0]  }
0x6d: {  	v12 =	vld [tilespmem:$0x4370]  }
0x6e: {  	v11 =	vld [tilespmem:$0x4120]  }
0x6f: {  	v2 =	vld [tilespmem:$0x30]  }
0x70: {  	v10 =	vld [tilespmem:$0x4280];
	vm0 =	vgt.f32 v1, $5.000000000e-01  }
0x71: {  	v3 =	vld [tilespmem:$0x4190]  }
0x72: {  	v13 =	vld [tilespmem:$0x4270]  }
0x73: {  	v19 =	vld [tilespmem:$0x4260]  }
0x74: {  	v1 =	vld [tilespmem:$0x41E0]  }
0x75: {  	v4 =	vld [tilespmem:$0x41F0]  }
0x76: {  	v15 =	vld [tilespmem:$0x42F0]  }
0x77: {  	v20 =	vld [tilespmem:$0x10]  }
0x78: {  	v8 =	vshll.u32 v2, $0x6;
	v16 =	vld [tilespmem:$0x4200]  }
.Ltmp1:
0x79: {  	v18 =	vld [tilespmem:$0x4180];
	vm1 =	vgt.f32 v1, $5.000000000e-01;
	(pc) =	sbr.rel @p0 .LBB2_1-.Ltmp1, $4  }
0x7a: {  	v14 =	vld [tilespmem:$0x4110];
	v1 =	vsel vm1, $0x2, v0;
	vm1 =	vgt.f32 v4, $5.000000000e-01  }
0x7b: {  	v7 =	vsel vm0, $0x4, v0;
	vm2 =	vgt.f32 v13, $5.000000000e-01;
	v17 =	vld [tilespmem:$0x70];
	v4 =	vsel vm1, $0x2, v0  }
0x7c: {  	vm0 =	vgt.f32 v19, $5.000000000e-01;
	vm1 =	vgt.f32 v3, $5.000000000e-01;
	v13 =	vld [tilespmem:$0x4100];
	v3 =	vshll.u32 v20, $0x6  }
0x7d: {  	v2 =	vsel vm1, $0x2, v0;
	vm1 =	vgt.f32 v6, $5.000000000e-01;
	v6 =	vsel vm2, $0x4, v0;
	v19 =	vld [tilespmem:$0x4170]  }
.LBB2_2:
0x7e: {  	v20 =	vld [tilespmem:$0x4160]  }
0x7f: {  	v62 =	vld [tilespmem:$0x60]  }
0x80: {  	v31 =	vld [tilespmem:$0x4130]  }
0x81: {  	v22 =	vld [tilespmem:$0x0]  }
0x82: {  	v33 =	vld [tilespmem:$0x41A0]  }
0x83: {  	v23 =	vld [tilespmem:$0x42B0]  }
0x84: {  	vm2 =	vgt.f32 v18, $5.000000000e-01;
	v60 =	vsel vm1, $0x2, v0;
	v35 =	vld [tilespmem:$0x4220]  }
0x85: {  	vm7 =	vgt.f32 v15, $5.000000000e-01;
	vm8 =	vgt.f32 v16, $5.000000000e-01;
	vm3 =	vgt.f32 v12, $5.000000000e-01;
	v37 =	vld [tilespmem:$0x42A0]  }
0x86: {  	vm9 =	vgt.f32 v11, $5.000000000e-01;
	v21 =	vsel vm0, $0x4, v0;
	vm10 =	vgt.f32 v10, $5.000000000e-01;
	v27 =	vld [tilespmem:$0x4300]  }
0x87: {  	v9 =	vshll.u32 v9, $0x6;
	vm5 =	vgt.f32 v5, $5.000000000e-01;
	v40 =	vld [tilespmem:$0x4210];
	v61 =	vsel vm2, $0x2, v0  }
0x88: {  	v28 =	vld [tilespmem:$0x4290];
	v63 =	vsel vm8, $0x4, v0;
	vm0 =	vgt.f32 v14, $5.000000000e-01;
	v32 =	vsel vm7, $0x8, v0  }
0x89: {  	v43 =	vld [tilespmem:$0x4310];
	v34 =	vsel vm9, $0x1, v0;
	v24 =	vsel vm5, $0x8, v0;
	v26 =	vsel vm3, $0x10, v0  }
0x8a: {  	v46 =	vld [tilespmem:$0x4330];
	v42 =	vsel vm10, $0x8, v0;
	v17 =	vshll.u32 v17, $0x6;
	vm6 =	vgt.f32 v13, $5.000000000e-01  }
0x8b: {  	v56 =	vld [tilespmem:$0x40];
	v9 =	vor.u32 v34, v9;
	vm4 =	vgt.f32 v19, $5.000000000e-01;
	v39 =	vsel vm6, $0x1, v0  }
0x8c: {  	v48 =	vld [tilespmem:$0x43F0];
	vm11 =	vgt.f32 v20, $5.000000000e-01;
	v16 =	vshll.u32 v62, $0x6;
	v25 =	vsel vm4, $0x1, v0  }
0x8d: {  	v50 =	vld [tilespmem:$0x43B0];
	v22 =	vshll.u32 v22, $0x6;
	vm12 =	vgt.f32 v31, $5.000000000e-01;
	vm13 =	vgt.f32 v33, $5.000000000e-01  }
0x8e: {  	v52 =	vld [tilespmem:$0x4320];
	vm14 =	vgt.f32 v23, $5.000000000e-01;
	vm15 =	vgt.f32 v35, $5.000000000e-01;
	vm8 =	vgt.f32 v37, $5.000000000e-01  }
0x8f: {  	v53 =	vld [tilespmem:$0x43A0];
	vm9 =	vgt.f32 v27, $5.000000000e-01;
	vm10 =	vgt.f32 v40, $5.000000000e-01;
	vm1 =	vgt.f32 v28, $5.000000000e-01  }
0x90: {  	v58 =	vld [tilespmem:$0x4360];
	v12 =	vshll.u32 v56, $0x6;
	v36 =	vsel vm11, $0x1, v0;
	v38 =	vor.u32 v25, v17  }
0x91: {  	v41 =	vsel vm12, $0x1, v0;
	v45 =	vsel vm13, $0x2, v0;
	v47 =	vor.u32 v39, v22  }
0x92: {  	v29 =	vld [tilespmem:$0x43E0];
	v49 =	vsel vm14, $0x8, v0;
	v51 =	vsel vm15, $0x4, v0;
	v54 =	vsel vm10, $0x4, v0  }
0x93: {  	v30 =	vld [tilespmem:$0x4390];
	vm11 =	vgt.f32 v46, $5.000000000e-01;
	vm12 =	vgt.f32 v48, $5.000000000e-01;
	v57 =	vsel vm8, $0x8, v0  }
0x94: {  	vm13 =	vgt.f32 v50, $5.000000000e-01;
	vm14 =	vgt.f32 v52, $5.000000000e-01;
	v25 =	vsel vm9, $0x10, v0  }
0x95: {  	vm15 =	vgt.f32 v53, $5.000000000e-01;
	vm9 =	vgt.f32 v43, $5.000000000e-01;
	vm10 =	vgt.f32 v58, $5.000000000e-01  }
0x96: {  	v55 =	vld [tilespmem:$0x4140];
	v37 =	vsel vm1, $0x8, v0;
	v8 =	vor.u32 v41, v8;
	v4 =	vor.u32 v4, v38  }
0x97: {  	v13 =	vor.u32 v36, v16;
	v27 =	vsel vm13, $0x20, v0;
	v28 =	vsel vm14, $0x10, v0  }
0x98: {  	v33 =	vsel vm10, $0x10, v0;
	vm13 =	vgt.f32 v29, $5.000000000e-01;
	vm14 =	vgt.f32 v30, $5.000000000e-01  }
0x99: {  	v59 =	vld [tilespmem:$0x4380];
	v39 =	vsel vm9, $0x10, v0;
	v40 =	vsel vm15, $0x20, v0;
	v44 =	vor.u32 v60, v8  }
0x9a: {  	v8 =	vor.u32 v45, v9;
	v4 =	vor.u32 v6, v4;
	v60 =	vsel vm0, $0x1, v0  }
0x9b: {  	v62 =	vld [tilespmem:$0x41C0];
	vm0 =	vgt.f32 v55, $5.000000000e-01;
	v1 =	vor.u32 v1, v13;
	v43 =	vsel vm13, $0x20, v0  }
0x9c: {  	v31 =	vld [tilespmem:$0x50];
	v5 =	vor.u32 v7, v44;
	v7 =	vor.u32 v61, v47;
	v8 =	vor.u32 v51, v8  }
0x9d: {  	v35 =	vld [tilespmem:$0x4240];
	v4 =	vor.u32 v32, v4;
	v61 =	vsel vm11, $0x10, v0;
	v3 =	vor.u32 v60, v3  }
0x9e: {  	vm11 =	vgt.f32 v59, $5.000000000e-01;
	v1 =	vor.u32 v21, v1;
	v44 =	vsel vm0, $0x1, v0  }
0x9f: {  	v51 =	vsel vm14, $0x20, v0;
	v7 =	vor.u32 v63, v7;
	v5 =	vor.u32 v49, v5  }
0xa0: {  	v8 =	vor.u32 v57, v8;
	v4 =	vor.u32 v26, v4;
	v63 =	vsel vm12, $0x20, v0  }
0xa1: {  	v36 =	vld [tilespmem:$0x41D0];
	v2 =	vor.u32 v2, v3;
	vm12 =	vgt.f32 v62, $5.000000000e-01;
	v1 =	vor.u32 v24, v1  }
0xa2: {  	v38 =	vld [tilespmem:$0x4340];
	v34 =	vsel vm11, $0x20, v0;
	v10 =	vshll.u32 v31, $0x6;
	vm8 =	vgt.f32 v35, $5.000000000e-01  }
0xa3: {  	v41 =	vld [tilespmem:$0x42D0];
	v12 =	vor.u32 v44, v12;
	v7 =	vor.u32 v42, v7;
	v2 =	vor.u32 v54, v2  }
0xa4: {  	v45 =	vld [tilespmem:$0x43D0];
	v8 =	vor.u32 v28, v8;
	v1 =	vor.u32 v33, v1;
	v4 =	vor.u32 v63, v4  }
0xa5: {  	v32 =	vld [tilespmem:$0x4250];
	v46 =	vsel vm12, $0x2, v0;
	v52 =	vsel vm8, $0x4, v0;
	v56 =	vor.u32 v61, v5  }
0xa6: {  	v26 =	vld [tilespmem:$0x4150];
	v7 =	vor.u32 v25, v7;
	v2 =	vor.u32 v37, v2;
	vm9 =	vgt.f32 v36, $5.000000000e-01  }
0xa7: {  	v47 =	vld [tilespmem:$0x43C0];
	v8 =	vor.u32 v40, v8;
	vm10 =	vgt.f32 v38, $5.000000000e-01;
	v11 =	vor.u32 v46, v12  }
0xa8: {  	v50 =	vld [tilespmem:$0x42C0];
	vm11 =	vgt.f32 v41, $5.000000000e-01;
	v1 =	vor.u32 v43, v1;
	[tilespmem:$0xF0] =	vst v4;
	v4 =	vor.u32 v27, v56  }
0xa9: {  	v7 =	vor.u32 v34, v7;
	v2 =	vor.u32 v39, v2;
	v49 =	vsel vm9, $0x2, v0  }
0xaa: {  	v42 =	vld [tilespmem:$0x4350];
	vm13 =	vgt.f32 v45, $5.000000000e-01;
	v55 =	vor.u32 v52, v11;
	v57 =	vsel vm11, $0x8, v0  }
0xab: {  	v61 =	vsel vm10, $0x10, v0;
	vm15 =	vgt.f32 v32, $5.000000000e-01;
	vm7 =	vgt.f32 v26, $5.000000000e-01  }
0xac: {  	vm14 =	vgt.f32 v47, $5.000000000e-01;
	v2 =	vor.u32 v51, v2;
	v48 =	vsel vm7, $0x1, v0  }
0xad: {  	[tilespmem:$0xA0] =	vst v8;
	v53 =	vsel vm15, $0x4, v0;
	vm15 =	vgt.f32 v50, $5.000000000e-01;
	v10 =	vor.u32 v48, v10  }
0xae: {  	[tilespmem:$0xE0] =	vst v1;
	v62 =	vsel vm14, $0x20, v0;
	v60 =	vsel vm15, $0x8, v0;
	v54 =	vor.u32 v49, v10  }
0xaf: {  	[tilespmem:$0xB0] =	vst v4;
	vm12 =	vgt.f32 v42, $5.000000000e-01;
	v1 =	vor.u32 v60, v55;
	v3 =	vor.u32 v53, v54  }
0xb0: {  	[tilespmem:$0x80] =	vst v7;
	v59 =	vsel vm12, $0x10, v0;
	v1 =	vor.u32 v61, v1;
	v3 =	vor.u32 v57, v3  }
0xb1: {  	v58 =	vsel vm13, $0x20, v0;
	[tilespmem:$0x90] =	vst v2;
	v0 =	vor.u32 v62, v1;
	v3 =	vor.u32 v59, v3  }
0xb2: {  	[tilespmem:$0xC0] =	vst v0;
	v63 =	vor.u32 v58, v3  }
0xb3: {  	[tilespmem:$0xD0] =	vst v63  }
0xb4: {  	[tilespmem:s7], [sflag:$0x1] =	stream.indirect.gather [hbm4b:s4+s6], $0x80, s6, s6, $0xb8;
	[tilespmem:$0x4500] =	vst v63  }
0xb5: {  	_ =	swait.ge [sflag:s8], $0x4000  }
0xb6: {  	[sflag:s8] =	ssyncset.done $0x0  }
0xb7: {  	[sflag:s8] =	ssyncadd.s32 $0xFFFFC000  }
0xb8: {  	[hbm4b:s5+s2] =	stream.linear.scatter [tilespmem:s7], [sflag:$0x2], $0x4000, $0x38;
	[tilespmem:$0x4500] =	vst v63  }
0xb9: {  	_ =	swait.ge [sflag:s3], $0x4000  }
0xba: {  	[sflag:s3] =	ssyncset.done $0x0  }
0xbb: {  	[sflag:s3] =	ssyncadd.s32 $0xFFFFC000  }
0xbc: {  	_ =	sfence.sel $0x180000  }
0xbd: {  	[bflag:$0x0] =	sbarrier.arrive $0xFFFF  }
0xbe: {  	p0 =	sne.s32 s0, $0x0;
	_ =	strace $0x90000047  }
0xbf: {  	s0 =	sadd.s32 @!p0 $0x100000, s1;
	[bflag:$0x2] =	sbarrier.arrive $0xFFFF  }
0xc0: {  	[sflag:s0] =	ssyncadd.tile.s32 @!p0 $0x1;
	_ =	shalt  }
.Lfunc_end2:
_tile_overlayer_lowered:
.L_overlay_start_2:
0xc1: {  	(tag) =	ssettag $0x2  }
0xc2: {  	s0 =	rddreg [dreg:$0x0];
	s2 =	stileid.u32  }
0xc3: {  	s1 =	rddreg [dreg:$0x1];
	p0 =	sne.s32 s2, $0x0  }
0xc4: {  	s3 =	rddreg [dreg:$0x2];
	[bflag:$0x3] =	sbarrier.arrive $0xFFFF;
	s2 =	simm.s32 @!p0 $0x1C02  }
0xc5: {  	[timem:s3], [sflag:s2] =	dma.local @!p0 [hbm:s0], s1  }
0xc6: {  	s0 =	simm.s32 @!p0 $0x2  }
0xc7: {  	_ =	swait.ge @!p0 [sflag:s0], s1  }
0xc8: {  	s1 =	ssub.s32 @!p0 $0x0, s1;
	[sflag:s0] =	ssyncset.done @!p0 $0x0  }
0xc9: {  	[sflag:s0] =	ssyncadd.s32 @!p0 s1  }
0xca: {  	[bflag:$0x3] =	sbarrier.arrive $0xFFFF  }
0xcb: {  	_ =	shalt  }

</sc_bundles>
